<compile_context>
chip_gen: v7x
topology: tpu7x:2x2x1
jax: 0.10.2.dev20260603
libtpu: 0.0.44.dev20260713+nightly
codegen_flags: <defaults>
</compile_context>

<pallas_src>
import functools

import jax
import jax.numpy as jnp
from jax import lax
from jax.experimental import pallas as pl
from jax.experimental.pallas import tpu as pltpu
from jax.experimental.pallas import tpu_sc as plsc

NUM_EMB = 1000000
DIM = 32
QMAX = 255.0

BLK = 8000
TC_GRID = NUM_EMB // BLK
LBLK = BLK // 4
LINES = NUM_EMB // 4


def _minmax_body(w_ref, scale_ref, zp_ref, mn_ref, mx_ref):
    i = pl.program_id(0)

    @pl.when(i == 0)
    def _init():
        mn_ref[0] = 0.0
        mx_ref[0] = 0.0

    w = w_ref[...]
    mn_ref[0] = jnp.minimum(mn_ref[0], jnp.min(w))
    mx_ref[0] = jnp.maximum(mx_ref[0], jnp.max(w))

    @pl.when(i == TC_GRID - 1)
    def _finish():
        mn = mn_ref[0]
        mx = mx_ref[0]
        scale = jnp.maximum((mx - mn) / QMAX, 1e-8)
        zp = jnp.clip(jnp.round(-mn / scale), 0.0, QMAX)
        scale_ref[...] = jnp.full((1, 128), scale, jnp.float32)
        zp_ref[...] = jnp.full((1, 128), zp, jnp.float32)


_minmax = pl.pallas_call(
    _minmax_body,
    grid=(TC_GRID,),
    in_specs=[pl.BlockSpec((LBLK, 128), lambda i: (i, 0))],
    out_specs=[
        pl.BlockSpec((1, 128), lambda i: (0, 0)),
        pl.BlockSpec((1, 128), lambda i: (0, 0)),
    ],
    out_shape=[
        jax.ShapeDtypeStruct((1, 128), jnp.float32),
        jax.ShapeDtypeStruct((1, 128), jnp.float32),
    ],
    scratch_shapes=[
        pltpu.SMEM((1,), jnp.float32),
        pltpu.SMEM((1,), jnp.float32),
    ],
    compiler_params=pltpu.CompilerParams(allow_input_fusion=[True]),
)


def _transform_body(w_ref, m_ref, s_ref, z_ref, o_ref):
    s = s_ref[...]
    zp = z_ref[...]
    w = w_ref[...]
    m = m_ref[...]
    t = w / s + zp
    q = jnp.clip(jnp.round(t), 0.0, QMAX)
    wq = (q - zp) * s
    noise = jnp.where(m != 0, 0.0, wq - w)
    o_ref[...] = jnp.clip(w, -s * zp, s * (QMAX - zp)) + noise


_transform = pl.pallas_call(
    _transform_body,
    grid=(TC_GRID,),
    in_specs=[
        pl.BlockSpec((LBLK, 128), lambda i: (i, 0)),
        pl.BlockSpec((LBLK, 128), lambda i: (i, 0)),
        pl.BlockSpec((1, 128), lambda i: (0, 0)),
        pl.BlockSpec((1, 128), lambda i: (0, 0)),
    ],
    out_specs=pl.BlockSpec((LBLK, 128), lambda i: (i, 0)),
    out_shape=jax.ShapeDtypeStruct((LINES, 128), jnp.float32),
    compiler_params=pltpu.CompilerParams(
        allow_input_fusion=[True, True, False, False]),
)

B_TOTAL = 4096 * 50
NUM_WORKERS = 32
B_PER_W = B_TOTAL // NUM_WORKERS
CHUNK = 640
NCHUNK = B_PER_W // CHUNK
SUB = 128
NSUB = CHUNK // SUB

_sc_mesh = plsc.VectorSubcoreMesh(core_axis_name="c", subcore_axis_name="s")


@functools.partial(
    pl.kernel,
    mesh=_sc_mesh,
    out_type=jax.ShapeDtypeStruct((B_TOTAL // 4, 128), jnp.float32),
    scratch_types=[
        pltpu.VMEM((CHUNK,), jnp.int32),
        pltpu.VMEM((CHUNK,), jnp.int32),
        pltpu.VMEM((CHUNK,), jnp.int32),
        pltpu.VMEM((CHUNK, 128), jnp.float32),
        pltpu.VMEM((CHUNK // 4, 128), jnp.float32),
        pltpu.SemaphoreType.DMA,
    ],
    compiler_params=pltpu.CompilerParams(needs_layout_passes=False),
)
def _sc_gather(idx_hbm, tab_hbm, out_hbm,
               idx_v, line_v, qcol_v, g_v, o_v, sem):
    wid = lax.axis_index("s") * 2 + lax.axis_index("c")
    base = wid * B_PER_W

    def do_chunk(c, carry):
        off = pl.multiple_of(base + c * CHUNK, CHUNK)
        pltpu.sync_copy(idx_hbm.at[pl.ds(off, CHUNK)], idx_v)

        def decode(v, carry2):
            iv = idx_v[pl.ds(v * 16, 16)]
            line_v[pl.ds(v * 16, 16)] = iv >> 2
            qcol_v[pl.ds(v * 16, 16)] = (iv & 3) * DIM
            return carry2

        lax.fori_loop(0, CHUNK // 16, decode, 0)
        cps = []
        for sub in range(NSUB):
            cps.append(pltpu.async_copy(
                tab_hbm.at[line_v.at[pl.ds(sub * SUB, SUB)]],
                g_v.at[pl.ds(sub * SUB, SUB)], sem))
        for cp in cps:
            cp.wait()

        def do_group(g, carry2):
            qv = qcol_v[pl.ds(g * 16, 16)]
            for k in range(16):
                b = g * 16 + k
                orow = g * 4 + (k >> 2)
                for j in range(2):
                    o_v[orow, pl.ds((k & 3) * DIM + j * 16, 16)] = (
                        g_v[b, pl.ds(qv[k] + j * 16, 16)])
            return carry2

        lax.fori_loop(0, CHUNK // 16, do_group, 0)
        pltpu.sync_copy(
            o_v,
            out_hbm.at[pl.ds(pl.multiple_of(off // 4, CHUNK // 4), CHUNK // 4)])
        return carry

    lax.fori_loop(0, NCHUNK, do_chunk, 0)


def kernel(input, weight, mask):
    w4 = weight.reshape(LINES, 128)
    m4 = mask.astype(jnp.uint8).reshape(LINES, 128)
    scale_r, zp_r = _minmax(w4)
    table = _transform(w4, m4, scale_r, zp_r)
    idx = input.reshape(-1)
    out4 = _sc_gather(idx, table)
    return out4.reshape(input.shape + (DIM,))

# --- scband reference (transcript-rebuilt; emitter-appended) ---
"""Pipeline reference for scband-int-embedding-26242250178632 (READ-ONLY COPY).

The authoritative reference and input builder live on the scoring server;
editing this copy changes nothing except your own understanding.
"""

import jax, jax.numpy as jnp
import numpy as np

NUM_EMBEDDINGS = 1000000
EMBEDDING_DIM = 32
BITS = 8
P = 0.5
QMAX = float(2 ** BITS - 1)


def _quant_params(w):
    # MinMaxObserver-style tensor quantization params (quint8 affine).
    min_val = jnp.minimum(jnp.min(w), 0.0)
    max_val = jnp.maximum(jnp.max(w), 0.0)
    scale = (max_val - min_val) / QMAX
    scale = jnp.maximum(scale, 1e-8)
    zero_point = jnp.clip(jnp.round(-min_val / scale), 0.0, QMAX)
    return scale, zero_point


def setup_inputs(seed: int = 0):
    key = jax.random.key(seed)
    k1, k2, k3 = jax.random.split(key, 3)
    # indices spec is int64; use int32 here so it runs without jax x64 enabled
    indices = jax.random.randint(k1, (4096, 50), 0, NUM_EMBEDDINGS, dtype=jnp.int32)
    weight = jax.random.normal(k2, (NUM_EMBEDDINGS, EMBEDDING_DIM), dtype=jnp.float32)
    # bernoulli(1 - p): True entries have their quant noise zeroed out
    mask = jax.random.bernoulli(k3, 1.0 - P, (NUM_EMBEDDINGS, EMBEDDING_DIM))
    return {"input": indices, "weight": weight, "mask": mask}


def reference(input, weight, mask):
    w_det = jax.lax.stop_gradient(weight)
    scale, zero_point = _quant_params(w_det)
    # quantize: (clamp(round(w/scale + zp), 0, qmax) - zp) * scale
    w_q = (jnp.clip(jnp.round(w_det / scale + zero_point), 0.0, QMAX) - zero_point) * scale
    # noise = (w_q - w), zeroed where mask is True (prob 1-p)
    noise = jnp.where(mask, 0.0, w_q - w_det)
    clamp_low = -scale * zero_point
    clamp_high = scale * (QMAX - zero_point)
    w = jnp.clip(weight, clamp_low, clamp_high) + jax.lax.stop_gradient(noise)
    # embedding lookup (gather rows)
    output = jnp.take(w, input, axis=0)
    return output

if __name__ == "__main__":
    import jax
    _d = setup_inputs()
    print(jax.jit(kernel)(*tuple(_d.values())))

</pallas_src>

<mosaic_0001>
#map = affine_map<(d0, d1) -> (0)>
#map1 = affine_map<(d0, d1) -> (0, 0)>
module attributes {stable_mosaic.version = 14 : i64} {
  func.func @_sc_gather(%arg0: i32, %arg1: i32, %arg2: memref<204800xi32, #tpu.memory_space<hbm>>, %arg3: memref<250000x128xf32, #tpu.memory_space<hbm>>, %arg4: memref<51200x128xf32, #tpu.memory_space<hbm>>, %arg5: memref<640xi32, #tpu.memory_space<vmem>>, %arg6: memref<640xi32, #tpu.memory_space<vmem>>, %arg7: memref<640xi32, #tpu.memory_space<vmem>>, %arg8: memref<640x128xf32, #tpu.memory_space<vmem>>, %arg9: memref<160x128xf32, #tpu.memory_space<vmem>>, %arg10: memref<!tpu.dma_semaphore, #tpu.memory_space<semaphore_mem>>) attributes {dimension_semantics = [#tpu.dimension_semantics<core_parallel>, #tpu.dimension_semantics<subcore_parallel>], iteration_bounds = array<i64: 2, 16>, scalar_prefetch = 0 : i64, scratch_operands = 6 : i64, tpu.core_type = #tpu.core_type<sc_vector_subcore>, window_params = [{transform_indices = #map}, {transform_indices = #map1}, {transform_indices = #map1}]} {
    %mul3A = arith.constant 2 : i32
    %mul3A_0 = arith.muli %arg1, %mul3A : i32
    %add3A = arith.addi %mul3A_0, %arg0 : i32
    %mul3A_1 = arith.constant 6400 : i32
    %mul3A_2 = arith.muli %add3A, %mul3A_1 : i32
    %scan3A = arith.constant 0 : i32
    %scan3A_3 = arith.constant 0 : i32
    %scan3A_4 = arith.constant 10 : i32
    %scan3A_5 = arith.addi %scan3A_3, %scan3A_4 : i32
    %scan3A_6 = arith.constant 1 : i32
    scf.for %scan3A_8 = %scan3A_3 to %scan3A_5 step %scan3A_6  : i32 {
      %mul3A_9 = arith.constant 640 : i32
      %mul3A_10 = arith.muli %scan3A_8, %mul3A_9 : i32
      %add3A_11 = arith.addi %mul3A_2, %mul3A_10 : i32
      %multiple_of3A = tpu.assume_multiple %add3A_11, 640 : i32
      "tpu.region"() ({
        %run_scoped3A = tpu.sem_alloc : memref<!tpu.dma_semaphore, #tpu.memory_space<semaphore_mem>>
        %dma_start3A_119 = tpu.memref_slice %arg2[%multiple_of3A] : memref<204800xi32, #tpu.memory_space<hbm>> -> memref<640xi32, #tpu.memory_space<hbm>>
        %dma_start3A_120 = tpu.memref_slice %arg2[%multiple_of3A] : memref<204800xi32, #tpu.memory_space<hbm>> -> memref<640xi32, #tpu.memory_space<hbm>>
        tpu.enqueue_dma source(%dma_start3A_120 : memref<640xi32, #tpu.memory_space<hbm>>) target(%arg5 : memref<640xi32, #tpu.memory_space<vmem>>) target_semaphore(%run_scoped3A : memref<!tpu.dma_semaphore, #tpu.memory_space<semaphore_mem>>)
        %dma_wait3A_121 = tpu.memref_slice %arg2[%multiple_of3A] : memref<204800xi32, #tpu.memory_space<hbm>> -> memref<640xi32, #tpu.memory_space<hbm>>
        %dma_wait3A_122 = tpu.memref_slice %arg2[%multiple_of3A] : memref<204800xi32, #tpu.memory_space<hbm>> -> memref<640xi32, #tpu.memory_space<hbm>>
        tpu.wait_dma2 semaphore(%run_scoped3A : memref<!tpu.dma_semaphore, #tpu.memory_space<semaphore_mem>>) src(%dma_wait3A_122 : memref<640xi32, #tpu.memory_space<hbm>>) dst(%arg5 : memref<640xi32, #tpu.memory_space<vmem>>)
        tpu.yield
      }) : () -> ()
      %scan3A_12 = arith.constant 0 : i32
      %scan3A_13 = arith.constant 0 : i32
      %scan3A_14 = arith.constant 40 : i32
      %scan3A_15 = arith.addi %scan3A_13, %scan3A_14 : i32
      %scan3A_16 = arith.constant 1 : i32
      scf.for %scan3A_119 = %scan3A_13 to %scan3A_15 step %scan3A_16  : i32 {
        %mul3A_120 = arith.constant 16 : i32
        %mul3A_121 = arith.muli %scan3A_119, %mul3A_120 : i32
        %get3A = arith.index_cast %mul3A_121 : i32 to index
        %get3A_122 = tpu.vector_load %arg5[%get3A] {strides = array<i32>} : memref<640xi32, #tpu.memory_space<vmem>>, vector<16xi32>,
        %shift_right_arithmetic3A = arith.constant 2 : i32
        %shift_right_arithmetic3A_123 = vector.broadcast %shift_right_arithmetic3A : i32 to vector<16xi32>
        %shift_right_arithmetic3A_124 = arith.shrsi %get3A_122, %shift_right_arithmetic3A_123 : vector<16xi32>
        %mul3A_125 = arith.constant 16 : i32
        %mul3A_126 = arith.muli %scan3A_119, %mul3A_125 : i32
        %swap3A = arith.index_cast %mul3A_126 : i32 to index
        %swap3A_127 = tpu.vector_load %arg6[%swap3A] {strides = array<i32>} : memref<640xi32, #tpu.memory_space<vmem>>, vector<16xi32>,
        tpu.vector_store %arg6[%swap3A], %shift_right_arithmetic3A_124 {strides = array<i32>} : memref<640xi32, #tpu.memory_space<vmem>>, vector<16xi32>,
        %and3A_128 = arith.constant 3 : i32
        %and3A_129 = vector.broadcast %and3A_128 : i32 to vector<16xi32>
        %and3A_130 = arith.andi %get3A_122, %and3A_129 : vector<16xi32>
        %mul3A_131 = arith.constant 32 : i32
        %mul3A_132 = vector.broadcast %mul3A_131 : i32 to vector<16xi32>
        %mul3A_133 = arith.muli %and3A_130, %mul3A_132 : vector<16xi32>
        %mul3A_134 = arith.constant 16 : i32
        %mul3A_135 = arith.muli %scan3A_119, %mul3A_134 : i32
        %swap3A_136 = arith.index_cast %mul3A_135 : i32 to index
        %swap3A_137 = tpu.vector_load %arg7[%swap3A_136] {strides = array<i32>} : memref<640xi32, #tpu.memory_space<vmem>>, vector<16xi32>,
        tpu.vector_store %arg7[%swap3A_136], %mul3A_133 {strides = array<i32>} : memref<640xi32, #tpu.memory_space<vmem>>, vector<16xi32>,
      }
      %scan3A_17 = arith.constant 40 : i32
      %dma_start3A = arith.constant 0 : i32
      %dma_start3A_18 = arith.constant 0 : i32
      %dma_start3A_19 = tpu.memref_slice %arg8[%dma_start3A, %dma_start3A_18] : memref<640x128xf32, #tpu.memory_space<vmem>> -> memref<128x128xf32, #tpu.memory_space<vmem>>
      %dma_start3A_20 = arith.constant 0 : i32
      %dma_start3A_21 = tpu.memref_slice %arg6[%dma_start3A_20] : memref<640xi32, #tpu.memory_space<vmem>> -> memref<128xi32, #tpu.memory_space<vmem>>
      %dma_start3A_22 = arith.constant 0 : i32
      %dma_start3A_23 = arith.constant 0 : i32
      %dma_start3A_24 = tpu.memref_slice %arg3[%dma_start3A_22, %dma_start3A_23] : memref<250000x128xf32, #tpu.memory_space<hbm>> -> memref<250000x128xf32, #tpu.memory_space<hbm>>
      tpu.enqueue_indirect_dma source(%dma_start3A_24 : memref<250000x128xf32, #tpu.memory_space<hbm>>) target(%dma_start3A_19 : memref<128x128xf32, #tpu.memory_space<vmem>>) offsets(%dma_start3A_21 : memref<128xi32, #tpu.memory_space<vmem>>) semaphore(%arg10 : memref<!tpu.dma_semaphore, #tpu.memory_space<semaphore_mem>>)
      %dma_start3A_25 = arith.constant 128 : i32
      %dma_start3A_26 = arith.constant 0 : i32
      %dma_start3A_27 = tpu.memref_slice %arg8[%dma_start3A_25, %dma_start3A_26] : memref<640x128xf32, #tpu.memory_space<vmem>> -> memref<128x128xf32, #tpu.memory_space<vmem>>
      %dma_start3A_28 = arith.constant 128 : i32
      %dma_start3A_29 = tpu.memref_slice %arg6[%dma_start3A_28] : memref<640xi32, #tpu.memory_space<vmem>> -> memref<128xi32, #tpu.memory_space<vmem>>
      %dma_start3A_30 = arith.constant 0 : i32
      %dma_start3A_31 = arith.constant 0 : i32
      %dma_start3A_32 = tpu.memref_slice %arg3[%dma_start3A_30, %dma_start3A_31] : memref<250000x128xf32, #tpu.memory_space<hbm>> -> memref<250000x128xf32, #tpu.memory_space<hbm>>
      tpu.enqueue_indirect_dma source(%dma_start3A_32 : memref<250000x128xf32, #tpu.memory_space<hbm>>) target(%dma_start3A_27 : memref<128x128xf32, #tpu.memory_space<vmem>>) offsets(%dma_start3A_29 : memref<128xi32, #tpu.memory_space<vmem>>) semaphore(%arg10 : memref<!tpu.dma_semaphore, #tpu.memory_space<semaphore_mem>>)
      %dma_start3A_33 = arith.constant 256 : i32
      %dma_start3A_34 = arith.constant 0 : i32
      %dma_start3A_35 = tpu.memref_slice %arg8[%dma_start3A_33, %dma_start3A_34] : memref<640x128xf32, #tpu.memory_space<vmem>> -> memref<128x128xf32, #tpu.memory_space<vmem>>
      %dma_start3A_36 = arith.constant 256 : i32
      %dma_start3A_37 = tpu.memref_slice %arg6[%dma_start3A_36] : memref<640xi32, #tpu.memory_space<vmem>> -> memref<128xi32, #tpu.memory_space<vmem>>
      %dma_start3A_38 = arith.constant 0 : i32
      %dma_start3A_39 = arith.constant 0 : i32
      %dma_start3A_40 = tpu.memref_slice %arg3[%dma_start3A_38, %dma_start3A_39] : memref<250000x128xf32, #tpu.memory_space<hbm>> -> memref<250000x128xf32, #tpu.memory_space<hbm>>
      tpu.enqueue_indirect_dma source(%dma_start3A_40 : memref<250000x128xf32, #tpu.memory_space<hbm>>) target(%dma_start3A_35 : memref<128x128xf32, #tpu.memory_space<vmem>>) offsets(%dma_start3A_37 : memref<128xi32, #tpu.memory_space<vmem>>) semaphore(%arg10 : memref<!tpu.dma_semaphore, #tpu.memory_space<semaphore_mem>>)
      %dma_start3A_41 = arith.constant 384 : i32
      %dma_start3A_42 = arith.constant 0 : i32
      %dma_start3A_43 = tpu.memref_slice %arg8[%dma_start3A_41, %dma_start3A_42] : memref<640x128xf32, #tpu.memory_space<vmem>> -> memref<128x128xf32, #tpu.memory_space<vmem>>
      %dma_start3A_44 = arith.constant 384 : i32
      %dma_start3A_45 = tpu.memref_slice %arg6[%dma_start3A_44] : memref<640xi32, #tpu.memory_space<vmem>> -> memref<128xi32, #tpu.memory_space<vmem>>
      %dma_start3A_46 = arith.constant 0 : i32
      %dma_start3A_47 = arith.constant 0 : i32
      %dma_start3A_48 = tpu.memref_slice %arg3[%dma_start3A_46, %dma_start3A_47] : memref<250000x128xf32, #tpu.memory_space<hbm>> -> memref<250000x128xf32, #tpu.memory_space<hbm>>
      tpu.enqueue_indirect_dma source(%dma_start3A_48 : memref<250000x128xf32, #tpu.memory_space<hbm>>) target(%dma_start3A_43 : memref<128x128xf32, #tpu.memory_space<vmem>>) offsets(%dma_start3A_45 : memref<128xi32, #tpu.memory_space<vmem>>) semaphore(%arg10 : memref<!tpu.dma_semaphore, #tpu.memory_space<semaphore_mem>>)
      %dma_start3A_49 = arith.constant 512 : i32
      %dma_start3A_50 = arith.constant 0 : i32
      %dma_start3A_51 = tpu.memref_slice %arg8[%dma_start3A_49, %dma_start3A_50] : memref<640x128xf32, #tpu.memory_space<vmem>> -> memref<128x128xf32, #tpu.memory_space<vmem>>
      %dma_start3A_52 = arith.constant 512 : i32
      %dma_start3A_53 = tpu.memref_slice %arg6[%dma_start3A_52] : memref<640xi32, #tpu.memory_space<vmem>> -> memref<128xi32, #tpu.memory_space<vmem>>
      %dma_start3A_54 = arith.constant 0 : i32
      %dma_start3A_55 = arith.constant 0 : i32
      %dma_start3A_56 = tpu.memref_slice %arg3[%dma_start3A_54, %dma_start3A_55] : memref<250000x128xf32, #tpu.memory_space<hbm>> -> memref<250000x128xf32, #tpu.memory_space<hbm>>
      tpu.enqueue_indirect_dma source(%dma_start3A_56 : memref<250000x128xf32, #tpu.memory_space<hbm>>) target(%dma_start3A_51 : memref<128x128xf32, #tpu.memory_space<vmem>>) offsets(%dma_start3A_53 : memref<128xi32, #tpu.memory_space<vmem>>) semaphore(%arg10 : memref<!tpu.dma_semaphore, #tpu.memory_space<semaphore_mem>>)
      %dma_wait3A = arith.constant 0 : i32
      %dma_wait3A_57 = arith.constant 0 : i32
      %dma_wait3A_58 = tpu.memref_slice %arg8[%dma_wait3A, %dma_wait3A_57] : memref<640x128xf32, #tpu.memory_space<vmem>> -> memref<128x128xf32, #tpu.memory_space<vmem>>
      %dma_wait3A_59 = arith.constant 0 : i32
      %dma_wait3A_60 = tpu.memref_slice %arg6[%dma_wait3A_59] : memref<640xi32, #tpu.memory_space<vmem>> -> memref<128xi32, #tpu.memory_space<vmem>>
      %dma_wait3A_61 = arith.constant 0 : i32
      %dma_wait3A_62 = arith.constant 0 : i32
      %dma_wait3A_63 = tpu.memref_slice %arg3[%dma_wait3A_61, %dma_wait3A_62] : memref<250000x128xf32, #tpu.memory_space<hbm>> -> memref<250000x128xf32, #tpu.memory_space<hbm>>
      tpu.wait_indirect_dma semaphore(%arg10 : memref<!tpu.dma_semaphore, #tpu.memory_space<semaphore_mem>>) src(%dma_wait3A_63 : memref<250000x128xf32, #tpu.memory_space<hbm>>) dst(%dma_wait3A_58 : memref<128x128xf32, #tpu.memory_space<vmem>>)
      %dma_wait3A_64 = arith.constant 128 : i32
      %dma_wait3A_65 = arith.constant 0 : i32
      %dma_wait3A_66 = tpu.memref_slice %arg8[%dma_wait3A_64, %dma_wait3A_65] : memref<640x128xf32, #tpu.memory_space<vmem>> -> memref<128x128xf32, #tpu.memory_space<vmem>>
      %dma_wait3A_67 = arith.constant 128 : i32
      %dma_wait3A_68 = tpu.memref_slice %arg6[%dma_wait3A_67] : memref<640xi32, #tpu.memory_space<vmem>> -> memref<128xi32, #tpu.memory_space<vmem>>
      %dma_wait3A_69 = arith.constant 0 : i32
      %dma_wait3A_70 = arith.constant 0 : i32
      %dma_wait3A_71 = tpu.memref_slice %arg3[%dma_wait3A_69, %dma_wait3A_70] : memref<250000x128xf32, #tpu.memory_space<hbm>> -> memref<250000x128xf32, #tpu.memory_space<hbm>>
      tpu.wait_indirect_dma semaphore(%arg10 : memref<!tpu.dma_semaphore, #tpu.memory_space<semaphore_mem>>) src(%dma_wait3A_71 : memref<250000x128xf32, #tpu.memory_space<hbm>>) dst(%dma_wait3A_66 : memref<128x128xf32, #tpu.memory_space<vmem>>)
      %dma_wait3A_72 = arith.constant 256 : i32
      %dma_wait3A_73 = arith.constant 0 : i32
      %dma_wait3A_74 = tpu.memref_slice %arg8[%dma_wait3A_72, %dma_wait3A_73] : memref<640x128xf32, #tpu.memory_space<vmem>> -> memref<128x128xf32, #tpu.memory_space<vmem>>
      %dma_wait3A_75 = arith.constant 256 : i32
      %dma_wait3A_76 = tpu.memref_slice %arg6[%dma_wait3A_75] : memref<640xi32, #tpu.memory_space<vmem>> -> memref<128xi32, #tpu.memory_space<vmem>>
      %dma_wait3A_77 = arith.constant 0 : i32
      %dma_wait3A_78 = arith.constant 0 : i32
      %dma_wait3A_79 = tpu.memref_slice %arg3[%dma_wait3A_77, %dma_wait3A_78] : memref<250000x128xf32, #tpu.memory_space<hbm>> -> memref<250000x128xf32, #tpu.memory_space<hbm>>
      tpu.wait_indirect_dma semaphore(%arg10 : memref<!tpu.dma_semaphore, #tpu.memory_space<semaphore_mem>>) src(%dma_wait3A_79 : memref<250000x128xf32, #tpu.memory_space<hbm>>) dst(%dma_wait3A_74 : memref<128x128xf32, #tpu.memory_space<vmem>>)
      %dma_wait3A_80 = arith.constant 384 : i32
      %dma_wait3A_81 = arith.constant 0 : i32
      %dma_wait3A_82 = tpu.memref_slice %arg8[%dma_wait3A_80, %dma_wait3A_81] : memref<640x128xf32, #tpu.memory_space<vmem>> -> memref<128x128xf32, #tpu.memory_space<vmem>>
      %dma_wait3A_83 = arith.constant 384 : i32
      %dma_wait3A_84 = tpu.memref_slice %arg6[%dma_wait3A_83] : memref<640xi32, #tpu.memory_space<vmem>> -> memref<128xi32, #tpu.memory_space<vmem>>
      %dma_wait3A_85 = arith.constant 0 : i32
      %dma_wait3A_86 = arith.constant 0 : i32
      %dma_wait3A_87 = tpu.memref_slice %arg3[%dma_wait3A_85, %dma_wait3A_86] : memref<250000x128xf32, #tpu.memory_space<hbm>> -> memref<250000x128xf32, #tpu.memory_space<hbm>>
      tpu.wait_indirect_dma semaphore(%arg10 : memref<!tpu.dma_semaphore, #tpu.memory_space<semaphore_mem>>) src(%dma_wait3A_87 : memref<250000x128xf32, #tpu.memory_space<hbm>>) dst(%dma_wait3A_82 : memref<128x128xf32, #tpu.memory_space<vmem>>)
      %dma_wait3A_88 = arith.constant 512 : i32
      %dma_wait3A_89 = arith.constant 0 : i32
      %dma_wait3A_90 = tpu.memref_slice %arg8[%dma_wait3A_88, %dma_wait3A_89] : memref<640x128xf32, #tpu.memory_space<vmem>> -> memref<128x128xf32, #tpu.memory_space<vmem>>
      %dma_wait3A_91 = arith.constant 512 : i32
      %dma_wait3A_92 = tpu.memref_slice %arg6[%dma_wait3A_91] : memref<640xi32, #tpu.memory_space<vmem>> -> memref<128xi32, #tpu.memory_space<vmem>>
      %dma_wait3A_93 = arith.constant 0 : i32
      %dma_wait3A_94 = arith.constant 0 : i32
      %dma_wait3A_95 = tpu.memref_slice %arg3[%dma_wait3A_93, %dma_wait3A_94] : memref<250000x128xf32, #tpu.memory_space<hbm>> -> memref<250000x128xf32, #tpu.memory_space<hbm>>
      tpu.wait_indirect_dma semaphore(%arg10 : memref<!tpu.dma_semaphore, #tpu.memory_space<semaphore_mem>>) src(%dma_wait3A_95 : memref<250000x128xf32, #tpu.memory_space<hbm>>) dst(%dma_wait3A_90 : memref<128x128xf32, #tpu.memory_space<vmem>>)
      %scan3A_96 = arith.constant 0 : i32
      %scan3A_97 = arith.constant 0 : i32
      %scan3A_98 = arith.constant 40 : i32
      %scan3A_99 = arith.addi %scan3A_97, %scan3A_98 : i32
      %scan3A_100 = arith.constant 1 : i32
      scf.for %scan3A_119 = %scan3A_97 to %scan3A_99 step %scan3A_100  : i32 {
        %mul3A_120 = arith.constant 16 : i32
        %mul3A_121 = arith.muli %scan3A_119, %mul3A_120 : i32
        %get3A = arith.index_cast %mul3A_121 : i32 to index
        %get3A_122 = tpu.vector_load %arg7[%get3A] {strides = array<i32>} : memref<640xi32, #tpu.memory_space<vmem>>, vector<16xi32>,
        %mul3A_123 = arith.constant 16 : i32
        %mul3A_124 = arith.muli %scan3A_119, %mul3A_123 : i32
        %add3A_125 = arith.constant 0 : i32
        %add3A_126 = arith.addi %mul3A_124, %add3A_125 : i32
        %mul3A_127 = arith.constant 4 : i32
        %mul3A_128 = arith.muli %scan3A_119, %mul3A_127 : i32
        %add3A_129 = arith.constant 0 : i32
        %add3A_130 = arith.addi %mul3A_128, %add3A_129 : i32
        %slice3A = vector.extract_strided_slice %get3A_122 {offsets = [0], sizes = [1], strides = [1]} : vector<16xi32> to vector<1xi32>
        %squeeze3A = vector.extract %slice3A[0] : i32 from vector<1xi32>
        %add3A_131 = arith.constant 0 : i32
        %add3A_132 = arith.addi %squeeze3A, %add3A_131 : i32
        %get3A_133 = arith.index_cast %add3A_126 : i32 to index
        %get3A_134 = arith.index_cast %add3A_132 : i32 to index
        %get3A_135 = tpu.vector_load %arg8[%get3A_133, %get3A_134] {strides = array<i32>} : memref<640x128xf32, #tpu.memory_space<vmem>>, vector<16xf32>,
        %swap3A = arith.index_cast %add3A_130 : i32 to index
        %swap3A_136 = arith.constant 0 : index
        %swap3A_137 = tpu.vector_load %arg9[%swap3A, %swap3A_136] {strides = array<i32>} : memref<160x128xf32, #tpu.memory_space<vmem>>, vector<16xf32>,
        tpu.vector_store %arg9[%swap3A, %swap3A_136], %get3A_135 {strides = array<i32>} : memref<160x128xf32, #tpu.memory_space<vmem>>, vector<16xf32>,
        %slice3A_138 = vector.extract_strided_slice %get3A_122 {offsets = [0], sizes = [1], strides = [1]} : vector<16xi32> to vector<1xi32>
        %squeeze3A_139 = vector.extract %slice3A_138[0] : i32 from vector<1xi32>
        %add3A_140 = arith.constant 16 : i32
        %add3A_141 = arith.addi %squeeze3A_139, %add3A_140 : i32
        %get3A_142 = arith.index_cast %add3A_126 : i32 to index
        %get3A_143 = arith.index_cast %add3A_141 : i32 to index
        %get3A_144 = tpu.vector_load %arg8[%get3A_142, %get3A_143] {strides = array<i32>} : memref<640x128xf32, #tpu.memory_space<vmem>>, vector<16xf32>,
        %swap3A_145 = arith.index_cast %add3A_130 : i32 to index
        %swap3A_146 = arith.constant 16 : index
        %swap3A_147 = tpu.vector_load %arg9[%swap3A_145, %swap3A_146] {strides = array<i32>} : memref<160x128xf32, #tpu.memory_space<vmem>>, vector<16xf32>,
        tpu.vector_store %arg9[%swap3A_145, %swap3A_146], %get3A_144 {strides = array<i32>} : memref<160x128xf32, #tpu.memory_space<vmem>>, vector<16xf32>,
        %mul3A_148 = arith.constant 16 : i32
        %mul3A_149 = arith.muli %scan3A_119, %mul3A_148 : i32
        %add3A_150 = arith.constant 1 : i32
        %add3A_151 = arith.addi %mul3A_149, %add3A_150 : i32
        %mul3A_152 = arith.constant 4 : i32
        %mul3A_153 = arith.muli %scan3A_119, %mul3A_152 : i32
        %add3A_154 = arith.constant 0 : i32
        %add3A_155 = arith.addi %mul3A_153, %add3A_154 : i32
        %slice3A_156 = vector.extract_strided_slice %get3A_122 {offsets = [1], sizes = [1], strides = [1]} : vector<16xi32> to vector<1xi32>
        %squeeze3A_157 = vector.extract %slice3A_156[0] : i32 from vector<1xi32>
        %add3A_158 = arith.constant 0 : i32
        %add3A_159 = arith.addi %squeeze3A_157, %add3A_158 : i32
        %get3A_160 = arith.index_cast %add3A_151 : i32 to index
        %get3A_161 = arith.index_cast %add3A_159 : i32 to index
        %get3A_162 = tpu.vector_load %arg8[%get3A_160, %get3A_161] {strides = array<i32>} : memref<640x128xf32, #tpu.memory_space<vmem>>, vector<16xf32>,
        %swap3A_163 = arith.index_cast %add3A_155 : i32 to index
        %swap3A_164 = arith.constant 32 : index
        %swap3A_165 = tpu.vector_load %arg9[%swap3A_163, %swap3A_164] {strides = array<i32>} : memref<160x128xf32, #tpu.memory_space<vmem>>, vector<16xf32>,
        tpu.vector_store %arg9[%swap3A_163, %swap3A_164], %get3A_162 {strides = array<i32>} : memref<160x128xf32, #tpu.memory_space<vmem>>, vector<16xf32>,
        %slice3A_166 = vector.extract_strided_slice %get3A_122 {offsets = [1], sizes = [1], strides = [1]} : vector<16xi32> to vector<1xi32>
        %squeeze3A_167 = vector.extract %slice3A_166[0] : i32 from vector<1xi32>
        %add3A_168 = arith.constant 16 : i32
        %add3A_169 = arith.addi %squeeze3A_167, %add3A_168 : i32
        %get3A_170 = arith.index_cast %add3A_151 : i32 to index
        %get3A_171 = arith.index_cast %add3A_169 : i32 to index
        %get3A_172 = tpu.vector_load %arg8[%get3A_170, %get3A_171] {strides = array<i32>} : memref<640x128xf32, #tpu.memory_space<vmem>>, vector<16xf32>,
        %swap3A_173 = arith.index_cast %add3A_155 : i32 to index
        %swap3A_174 = arith.constant 48 : index
        %swap3A_175 = tpu.vector_load %arg9[%swap3A_173, %swap3A_174] {strides = array<i32>} : memref<160x128xf32, #tpu.memory_space<vmem>>, vector<16xf32>,
        tpu.vector_store %arg9[%swap3A_173, %swap3A_174], %get3A_172 {strides = array<i32>} : memref<160x128xf32, #tpu.memory_space<vmem>>, vector<16xf32>,
        %mul3A_176 = arith.constant 16 : i32
        %mul3A_177 = arith.muli %scan3A_119, %mul3A_176 : i32
        %add3A_178 = arith.constant 2 : i32
        %add3A_179 = arith.addi %mul3A_177, %add3A_178 : i32
        %mul3A_180 = arith.constant 4 : i32
        %mul3A_181 = arith.muli %scan3A_119, %mul3A_180 : i32
        %add3A_182 = arith.constant 0 : i32
        %add3A_183 = arith.addi %mul3A_181, %add3A_182 : i32
        %slice3A_184 = vector.extract_strided_slice %get3A_122 {offsets = [2], sizes = [1], strides = [1]} : vector<16xi32> to vector<1xi32>
        %squeeze3A_185 = vector.extract %slice3A_184[0] : i32 from vector<1xi32>
        %add3A_186 = arith.constant 0 : i32
        %add3A_187 = arith.addi %squeeze3A_185, %add3A_186 : i32
        %get3A_188 = arith.index_cast %add3A_179 : i32 to index
        %get3A_189 = arith.index_cast %add3A_187 : i32 to index
        %get3A_190 = tpu.vector_load %arg8[%get3A_188, %get3A_189] {strides = array<i32>} : memref<640x128xf32, #tpu.memory_space<vmem>>, vector<16xf32>,
        %swap3A_191 = arith.index_cast %add3A_183 : i32 to index
        %swap3A_192 = arith.constant 64 : index
        %swap3A_193 = tpu.vector_load %arg9[%swap3A_191, %swap3A_192] {strides = array<i32>} : memref<160x128xf32, #tpu.memory_space<vmem>>, vector<16xf32>,
        tpu.vector_store %arg9[%swap3A_191, %swap3A_192], %get3A_190 {strides = array<i32>} : memref<160x128xf32, #tpu.memory_space<vmem>>, vector<16xf32>,
        %slice3A_194 = vector.extract_strided_slice %get3A_122 {offsets = [2], sizes = [1], strides = [1]} : vector<16xi32> to vector<1xi32>
        %squeeze3A_195 = vector.extract %slice3A_194[0] : i32 from vector<1xi32>
        %add3A_196 = arith.constant 16 : i32
        %add3A_197 = arith.addi %squeeze3A_195, %add3A_196 : i32
        %get3A_198 = arith.index_cast %add3A_179 : i32 to index
        %get3A_199 = arith.index_cast %add3A_197 : i32 to index
        %get3A_200 = tpu.vector_load %arg8[%get3A_198, %get3A_199] {strides = array<i32>} : memref<640x128xf32, #tpu.memory_space<vmem>>, vector<16xf32>,
        %swap3A_201 = arith.index_cast %add3A_183 : i32 to index
        %swap3A_202 = arith.constant 80 : index
        %swap3A_203 = tpu.vector_load %arg9[%swap3A_201, %swap3A_202] {strides = array<i32>} : memref<160x128xf32, #tpu.memory_space<vmem>>, vector<16xf32>,
        tpu.vector_store %arg9[%swap3A_201, %swap3A_202], %get3A_200 {strides = array<i32>} : memref<160x128xf32, #tpu.memory_space<vmem>>, vector<16xf32>,
        %mul3A_204 = arith.constant 16 : i32
        %mul3A_205 = arith.muli %scan3A_119, %mul3A_204 : i32
        %add3A_206 = arith.constant 3 : i32
        %add3A_207 = arith.addi %mul3A_205, %add3A_206 : i32
        %mul3A_208 = arith.constant 4 : i32
        %mul3A_209 = arith.muli %scan3A_119, %mul3A_208 : i32
        %add3A_210 = arith.constant 0 : i32
        %add3A_211 = arith.addi %mul3A_209, %add3A_210 : i32
        %slice3A_212 = vector.extract_strided_slice %get3A_122 {offsets = [3], sizes = [1], strides = [1]} : vector<16xi32> to vector<1xi32>
        %squeeze3A_213 = vector.extract %slice3A_212[0] : i32 from vector<1xi32>
        %add3A_214 = arith.constant 0 : i32
        %add3A_215 = arith.addi %squeeze3A_213, %add3A_214 : i32
        %get3A_216 = arith.index_cast %add3A_207 : i32 to index
        %get3A_217 = arith.index_cast %add3A_215 : i32 to index
        %get3A_218 = tpu.vector_load %arg8[%get3A_216, %get3A_217] {strides = array<i32>} : memref<640x128xf32, #tpu.memory_space<vmem>>, vector<16xf32>,
        %swap3A_219 = arith.index_cast %add3A_211 : i32 to index
        %swap3A_220 = arith.constant 96 : index
        %swap3A_221 = tpu.vector_load %arg9[%swap3A_219, %swap3A_220] {strides = array<i32>} : memref<160x128xf32, #tpu.memory_space<vmem>>, vector<16xf32>,
        tpu.vector_store %arg9[%swap3A_219, %swap3A_220], %get3A_218 {strides = array<i32>} : memref<160x128xf32, #tpu.memory_space<vmem>>, vector<16xf32>,
        %slice3A_222 = vector.extract_strided_slice %get3A_122 {offsets = [3], sizes = [1], strides = [1]} : vector<16xi32> to vector<1xi32>
        %squeeze3A_223 = vector.extract %slice3A_222[0] : i32 from vector<1xi32>
        %add3A_224 = arith.constant 16 : i32
        %add3A_225 = arith.addi %squeeze3A_223, %add3A_224 : i32
        %get3A_226 = arith.index_cast %add3A_207 : i32 to index
        %get3A_227 = arith.index_cast %add3A_225 : i32 to index
        %get3A_228 = tpu.vector_load %arg8[%get3A_226, %get3A_227] {strides = array<i32>} : memref<640x128xf32, #tpu.memory_space<vmem>>, vector<16xf32>,
        %swap3A_229 = arith.index_cast %add3A_211 : i32 to index
        %swap3A_230 = arith.constant 112 : index
        %swap3A_231 = tpu.vector_load %arg9[%swap3A_229, %swap3A_230] {strides = array<i32>} : memref<160x128xf32, #tpu.memory_space<vmem>>, vector<16xf32>,
        tpu.vector_store %arg9[%swap3A_229, %swap3A_230], %get3A_228 {strides = array<i32>} : memref<160x128xf32, #tpu.memory_space<vmem>>, vector<16xf32>,
        %mul3A_232 = arith.constant 16 : i32
        %mul3A_233 = arith.muli %scan3A_119, %mul3A_232 : i32
        %add3A_234 = arith.constant 4 : i32
        %add3A_235 = arith.addi %mul3A_233, %add3A_234 : i32
        %mul3A_236 = arith.constant 4 : i32
        %mul3A_237 = arith.muli %scan3A_119, %mul3A_236 : i32
        %add3A_238 = arith.constant 1 : i32
        %add3A_239 = arith.addi %mul3A_237, %add3A_238 : i32
        %slice3A_240 = vector.extract_strided_slice %get3A_122 {offsets = [4], sizes = [1], strides = [1]} : vector<16xi32> to vector<1xi32>
        %squeeze3A_241 = vector.extract %slice3A_240[0] : i32 from vector<1xi32>
        %add3A_242 = arith.constant 0 : i32
        %add3A_243 = arith.addi %squeeze3A_241, %add3A_242 : i32
        %get3A_244 = arith.index_cast %add3A_235 : i32 to index
        %get3A_245 = arith.index_cast %add3A_243 : i32 to index
        %get3A_246 = tpu.vector_load %arg8[%get3A_244, %get3A_245] {strides = array<i32>} : memref<640x128xf32, #tpu.memory_space<vmem>>, vector<16xf32>,
        %swap3A_247 = arith.index_cast %add3A_239 : i32 to index
        %swap3A_248 = arith.constant 0 : index
        %swap3A_249 = tpu.vector_load %arg9[%swap3A_247, %swap3A_248] {strides = array<i32>} : memref<160x128xf32, #tpu.memory_space<vmem>>, vector<16xf32>,
        tpu.vector_store %arg9[%swap3A_247, %swap3A_248], %get3A_246 {strides = array<i32>} : memref<160x128xf32, #tpu.memory_space<vmem>>, vector<16xf32>,
        %slice3A_250 = vector.extract_strided_slice %get3A_122 {offsets = [4], sizes = [1], strides = [1]} : vector<16xi32> to vector<1xi32>
        %squeeze3A_251 = vector.extract %slice3A_250[0] : i32 from vector<1xi32>
        %add3A_252 = arith.constant 16 : i32
        %add3A_253 = arith.addi %squeeze3A_251, %add3A_252 : i32
        %get3A_254 = arith.index_cast %add3A_235 : i32 to index
        %get3A_255 = arith.index_cast %add3A_253 : i32 to index
        %get3A_256 = tpu.vector_load %arg8[%get3A_254, %get3A_255] {strides = array<i32>} : memref<640x128xf32, #tpu.memory_space<vmem>>, vector<16xf32>,
        %swap3A_257 = arith.index_cast %add3A_239 : i32 to index
        %swap3A_258 = arith.constant 16 : index
        %swap3A_259 = tpu.vector_load %arg9[%swap3A_257, %swap3A_258] {strides = array<i32>} : memref<160x128xf32, #tpu.memory_space<vmem>>, vector<16xf32>,
        tpu.vector_store %arg9[%swap3A_257, %swap3A_258], %get3A_256 {strides = array<i32>} : memref<160x128xf32, #tpu.memory_space<vmem>>, vector<16xf32>,
        %mul3A_260 = arith.constant 16 : i32
        %mul3A_261 = arith.muli %scan3A_119, %mul3A_260 : i32
        %add3A_262 = arith.constant 5 : i32
        %add3A_263 = arith.addi %mul3A_261, %add3A_262 : i32
        %mul3A_264 = arith.constant 4 : i32
        %mul3A_265 = arith.muli %scan3A_119, %mul3A_264 : i32
        %add3A_266 = arith.constant 1 : i32
        %add3A_267 = arith.addi %mul3A_265, %add3A_266 : i32
        %slice3A_268 = vector.extract_strided_slice %get3A_122 {offsets = [5], sizes = [1], strides = [1]} : vector<16xi32> to vector<1xi32>
        %squeeze3A_269 = vector.extract %slice3A_268[0] : i32 from vector<1xi32>
        %add3A_270 = arith.constant 0 : i32
        %add3A_271 = arith.addi %squeeze3A_269, %add3A_270 : i32
        %get3A_272 = arith.index_cast %add3A_263 : i32 to index
        %get3A_273 = arith.index_cast %add3A_271 : i32 to index
        %get3A_274 = tpu.vector_load %arg8[%get3A_272, %get3A_273] {strides = array<i32>} : memref<640x128xf32, #tpu.memory_space<vmem>>, vector<16xf32>,
        %swap3A_275 = arith.index_cast %add3A_267 : i32 to index
        %swap3A_276 = arith.constant 32 : index
        %swap3A_277 = tpu.vector_load %arg9[%swap3A_275, %swap3A_276] {strides = array<i32>} : memref<160x128xf32, #tpu.memory_space<vmem>>, vector<16xf32>,
        tpu.vector_store %arg9[%swap3A_275, %swap3A_276], %get3A_274 {strides = array<i32>} : memref<160x128xf32, #tpu.memory_space<vmem>>, vector<16xf32>,
        %slice3A_278 = vector.extract_strided_slice %get3A_122 {offsets = [5], sizes = [1], strides = [1]} : vector<16xi32> to vector<1xi32>
        %squeeze3A_279 = vector.extract %slice3A_278[0] : i32 from vector<1xi32>
        %add3A_280 = arith.constant 16 : i32
        %add3A_281 = arith.addi %squeeze3A_279, %add3A_280 : i32
        %get3A_282 = arith.index_cast %add3A_263 : i32 to index
        %get3A_283 = arith.index_cast %add3A_281 : i32 to index
        %get3A_284 = tpu.vector_load %arg8[%get3A_282, %get3A_283] {strides = array<i32>} : memref<640x128xf32, #tpu.memory_space<vmem>>, vector<16xf32>,
        %swap3A_285 = arith.index_cast %add3A_267 : i32 to index
        %swap3A_286 = arith.constant 48 : index
        %swap3A_287 = tpu.vector_load %arg9[%swap3A_285, %swap3A_286] {strides = array<i32>} : memref<160x128xf32, #tpu.memory_space<vmem>>, vector<16xf32>,
        tpu.vector_store %arg9[%swap3A_285, %swap3A_286], %get3A_284 {strides = array<i32>} : memref<160x128xf32, #tpu.memory_space<vmem>>, vector<16xf32>,
        %mul3A_288 = arith.constant 16 : i32
        %mul3A_289 = arith.muli %scan3A_119, %mul3A_288 : i32
        %add3A_290 = arith.constant 6 : i32
        %add3A_291 = arith.addi %mul3A_289, %add3A_290 : i32
        %mul3A_292 = arith.constant 4 : i32
        %mul3A_293 = arith.muli %scan3A_119, %mul3A_292 : i32
        %add3A_294 = arith.constant 1 : i32
        %add3A_295 = arith.addi %mul3A_293, %add3A_294 : i32
        %slice3A_296 = vector.extract_strided_slice %get3A_122 {offsets = [6], sizes = [1], strides = [1]} : vector<16xi32> to vector<1xi32>
        %squeeze3A_297 = vector.extract %slice3A_296[0] : i32 from vector<1xi32>
        %add3A_298 = arith.constant 0 : i32
        %add3A_299 = arith.addi %squeeze3A_297, %add3A_298 : i32
        %get3A_300 = arith.index_cast %add3A_291 : i32 to index
        %get3A_301 = arith.index_cast %add3A_299 : i32 to index
        %get3A_302 = tpu.vector_load %arg8[%get3A_300, %get3A_301] {strides = array<i32>} : memref<640x128xf32, #tpu.memory_space<vmem>>, vector<16xf32>,
        %swap3A_303 = arith.index_cast %add3A_295 : i32 to index
        %swap3A_304 = arith.constant 64 : index
        %swap3A_305 = tpu.vector_load %arg9[%swap3A_303, %swap3A_304] {strides = array<i32>} : memref<160x128xf32, #tpu.memory_space<vmem>>, vector<16xf32>,
        tpu.vector_store %arg9[%swap3A_303, %swap3A_304], %get3A_302 {strides = array<i32>} : memref<160x128xf32, #tpu.memory_space<vmem>>, vector<16xf32>,
        %slice3A_306 = vector.extract_strided_slice %get3A_122 {offsets = [6], sizes = [1], strides = [1]} : vector<16xi32> to vector<1xi32>
        %squeeze3A_307 = vector.extract %slice3A_306[0] : i32 from vector<1xi32>
        %add3A_308 = arith.constant 16 : i32
        %add3A_309 = arith.addi %squeeze3A_307, %add3A_308 : i32
        %get3A_310 = arith.index_cast %add3A_291 : i32 to index
        %get3A_311 = arith.index_cast %add3A_309 : i32 to index
        %get3A_312 = tpu.vector_load %arg8[%get3A_310, %get3A_311] {strides = array<i32>} : memref<640x128xf32, #tpu.memory_space<vmem>>, vector<16xf32>,
        %swap3A_313 = arith.index_cast %add3A_295 : i32 to index
        %swap3A_314 = arith.constant 80 : index
        %swap3A_315 = tpu.vector_load %arg9[%swap3A_313, %swap3A_314] {strides = array<i32>} : memref<160x128xf32, #tpu.memory_space<vmem>>, vector<16xf32>,
        tpu.vector_store %arg9[%swap3A_313, %swap3A_314], %get3A_312 {strides = array<i32>} : memref<160x128xf32, #tpu.memory_space<vmem>>, vector<16xf32>,
        %mul3A_316 = arith.constant 16 : i32
        %mul3A_317 = arith.muli %scan3A_119, %mul3A_316 : i32
        %add3A_318 = arith.constant 7 : i32
        %add3A_319 = arith.addi %mul3A_317, %add3A_318 : i32
        %mul3A_320 = arith.constant 4 : i32
        %mul3A_321 = arith.muli %scan3A_119, %mul3A_320 : i32
        %add3A_322 = arith.constant 1 : i32
        %add3A_323 = arith.addi %mul3A_321, %add3A_322 : i32
        %slice3A_324 = vector.extract_strided_slice %get3A_122 {offsets = [7], sizes = [1], strides = [1]} : vector<16xi32> to vector<1xi32>
        %squeeze3A_325 = vector.extract %slice3A_324[0] : i32 from vector<1xi32>
        %add3A_326 = arith.constant 0 : i32
        %add3A_327 = arith.addi %squeeze3A_325, %add3A_326 : i32
        %get3A_328 = arith.index_cast %add3A_319 : i32 to index
        %get3A_329 = arith.index_cast %add3A_327 : i32 to index
        %get3A_330 = tpu.vector_load %arg8[%get3A_328, %get3A_329] {strides = array<i32>} : memref<640x128xf32, #tpu.memory_space<vmem>>, vector<16xf32>,
        %swap3A_331 = arith.index_cast %add3A_323 : i32 to index
        %swap3A_332 = arith.constant 96 : index
        %swap3A_333 = tpu.vector_load %arg9[%swap3A_331, %swap3A_332] {strides = array<i32>} : memref<160x128xf32, #tpu.memory_space<vmem>>, vector<16xf32>,
        tpu.vector_store %arg9[%swap3A_331, %swap3A_332], %get3A_330 {strides = array<i32>} : memref<160x128xf32, #tpu.memory_space<vmem>>, vector<16xf32>,
        %slice3A_334 = vector.extract_strided_slice %get3A_122 {offsets = [7], sizes = [1], strides = [1]} : vector<16xi32> to vector<1xi32>
        %squeeze3A_335 = vector.extract %slice3A_334[0] : i32 from vector<1xi32>
        %add3A_336 = arith.constant 16 : i32
        %add3A_337 = arith.addi %squeeze3A_335, %add3A_336 : i32
        %get3A_338 = arith.index_cast %add3A_319 : i32 to index
        %get3A_339 = arith.index_cast %add3A_337 : i32 to index
        %get3A_340 = tpu.vector_load %arg8[%get3A_338, %get3A_339] {strides = array<i32>} : memref<640x128xf32, #tpu.memory_space<vmem>>, vector<16xf32>,
        %swap3A_341 = arith.index_cast %add3A_323 : i32 to index
        %swap3A_342 = arith.constant 112 : index
        %swap3A_343 = tpu.vector_load %arg9[%swap3A_341, %swap3A_342] {strides = array<i32>} : memref<160x128xf32, #tpu.memory_space<vmem>>, vector<16xf32>,
        tpu.vector_store %arg9[%swap3A_341, %swap3A_342], %get3A_340 {strides = array<i32>} : memref<160x128xf32, #tpu.memory_space<vmem>>, vector<16xf32>,
        %mul3A_344 = arith.constant 16 : i32
        %mul3A_345 = arith.muli %scan3A_119, %mul3A_344 : i32
        %add3A_346 = arith.constant 8 : i32
        %add3A_347 = arith.addi %mul3A_345, %add3A_346 : i32
        %mul3A_348 = arith.constant 4 : i32
        %mul3A_349 = arith.muli %scan3A_119, %mul3A_348 : i32
        %add3A_350 = arith.constant 2 : i32
        %add3A_351 = arith.addi %mul3A_349, %add3A_350 : i32
        %slice3A_352 = vector.extract_strided_slice %get3A_122 {offsets = [8], sizes = [1], strides = [1]} : vector<16xi32> to vector<1xi32>
        %squeeze3A_353 = vector.extract %slice3A_352[0] : i32 from vector<1xi32>
        %add3A_354 = arith.constant 0 : i32
        %add3A_355 = arith.addi %squeeze3A_353, %add3A_354 : i32
        %get3A_356 = arith.index_cast %add3A_347 : i32 to index
        %get3A_357 = arith.index_cast %add3A_355 : i32 to index
        %get3A_358 = tpu.vector_load %arg8[%get3A_356, %get3A_357] {strides = array<i32>} : memref<640x128xf32, #tpu.memory_space<vmem>>, vector<16xf32>,
        %swap3A_359 = arith.index_cast %add3A_351 : i32 to index
        %swap3A_360 = arith.constant 0 : index
        %swap3A_361 = tpu.vector_load %arg9[%swap3A_359, %swap3A_360] {strides = array<i32>} : memref<160x128xf32, #tpu.memory_space<vmem>>, vector<16xf32>,
        tpu.vector_store %arg9[%swap3A_359, %swap3A_360], %get3A_358 {strides = array<i32>} : memref<160x128xf32, #tpu.memory_space<vmem>>, vector<16xf32>,
        %slice3A_362 = vector.extract_strided_slice %get3A_122 {offsets = [8], sizes = [1], strides = [1]} : vector<16xi32> to vector<1xi32>
        %squeeze3A_363 = vector.extract %slice3A_362[0] : i32 from vector<1xi32>
        %add3A_364 = arith.constant 16 : i32
        %add3A_365 = arith.addi %squeeze3A_363, %add3A_364 : i32
        %get3A_366 = arith.index_cast %add3A_347 : i32 to index
        %get3A_367 = arith.index_cast %add3A_365 : i32 to index
        %get3A_368 = tpu.vector_load %arg8[%get3A_366, %get3A_367] {strides = array<i32>} : memref<640x128xf32, #tpu.memory_space<vmem>>, vector<16xf32>,
        %swap3A_369 = arith.index_cast %add3A_351 : i32 to index
        %swap3A_370 = arith.constant 16 : index
        %swap3A_371 = tpu.vector_load %arg9[%swap3A_369, %swap3A_370] {strides = array<i32>} : memref<160x128xf32, #tpu.memory_space<vmem>>, vector<16xf32>,
        tpu.vector_store %arg9[%swap3A_369, %swap3A_370], %get3A_368 {strides = array<i32>} : memref<160x128xf32, #tpu.memory_space<vmem>>, vector<16xf32>,
        %mul3A_372 = arith.constant 16 : i32
        %mul3A_373 = arith.muli %scan3A_119, %mul3A_372 : i32
        %add3A_374 = arith.constant 9 : i32
        %add3A_375 = arith.addi %mul3A_373, %add3A_374 : i32
        %mul3A_376 = arith.constant 4 : i32
        %mul3A_377 = arith.muli %scan3A_119, %mul3A_376 : i32
        %add3A_378 = arith.constant 2 : i32
        %add3A_379 = arith.addi %mul3A_377, %add3A_378 : i32
        %slice3A_380 = vector.extract_strided_slice %get3A_122 {offsets = [9], sizes = [1], strides = [1]} : vector<16xi32> to vector<1xi32>
        %squeeze3A_381 = vector.extract %slice3A_380[0] : i32 from vector<1xi32>
        %add3A_382 = arith.constant 0 : i32
        %add3A_383 = arith.addi %squeeze3A_381, %add3A_382 : i32
        %get3A_384 = arith.index_cast %add3A_375 : i32 to index
        %get3A_385 = arith.index_cast %add3A_383 : i32 to index
        %get3A_386 = tpu.vector_load %arg8[%get3A_384, %get3A_385] {strides = array<i32>} : memref<640x128xf32, #tpu.memory_space<vmem>>, vector<16xf32>,
        %swap3A_387 = arith.index_cast %add3A_379 : i32 to index
        %swap3A_388 = arith.constant 32 : index
        %swap3A_389 = tpu.vector_load %arg9[%swap3A_387, %swap3A_388] {strides = array<i32>} : memref<160x128xf32, #tpu.memory_space<vmem>>, vector<16xf32>,
        tpu.vector_store %arg9[%swap3A_387, %swap3A_388], %get3A_386 {strides = array<i32>} : memref<160x128xf32, #tpu.memory_space<vmem>>, vector<16xf32>,
        %slice3A_390 = vector.extract_strided_slice %get3A_122 {offsets = [9], sizes = [1], strides = [1]} : vector<16xi32> to vector<1xi32>
        %squeeze3A_391 = vector.extract %slice3A_390[0] : i32 from vector<1xi32>
        %add3A_392 = arith.constant 16 : i32
        %add3A_393 = arith.addi %squeeze3A_391, %add3A_392 : i32
        %get3A_394 = arith.index_cast %add3A_375 : i32 to index
        %get3A_395 = arith.index_cast %add3A_393 : i32 to index
        %get3A_396 = tpu.vector_load %arg8[%get3A_394, %get3A_395] {strides = array<i32>} : memref<640x128xf32, #tpu.memory_space<vmem>>, vector<16xf32>,
        %swap3A_397 = arith.index_cast %add3A_379 : i32 to index
        %swap3A_398 = arith.constant 48 : index
        %swap3A_399 = tpu.vector_load %arg9[%swap3A_397, %swap3A_398] {strides = array<i32>} : memref<160x128xf32, #tpu.memory_space<vmem>>, vector<16xf32>,
        tpu.vector_store %arg9[%swap3A_397, %swap3A_398], %get3A_396 {strides = array<i32>} : memref<160x128xf32, #tpu.memory_space<vmem>>, vector<16xf32>,
        %mul3A_400 = arith.constant 16 : i32
        %mul3A_401 = arith.muli %scan3A_119, %mul3A_400 : i32
        %add3A_402 = arith.constant 10 : i32
        %add3A_403 = arith.addi %mul3A_401, %add3A_402 : i32
        %mul3A_404 = arith.constant 4 : i32
        %mul3A_405 = arith.muli %scan3A_119, %mul3A_404 : i32
        %add3A_406 = arith.constant 2 : i32
        %add3A_407 = arith.addi %mul3A_405, %add3A_406 : i32
        %slice3A_408 = vector.extract_strided_slice %get3A_122 {offsets = [10], sizes = [1], strides = [1]} : vector<16xi32> to vector<1xi32>
        %squeeze3A_409 = vector.extract %slice3A_408[0] : i32 from vector<1xi32>
        %add3A_410 = arith.constant 0 : i32
        %add3A_411 = arith.addi %squeeze3A_409, %add3A_410 : i32
        %get3A_412 = arith.index_cast %add3A_403 : i32 to index
        %get3A_413 = arith.index_cast %add3A_411 : i32 to index
        %get3A_414 = tpu.vector_load %arg8[%get3A_412, %get3A_413] {strides = array<i32>} : memref<640x128xf32, #tpu.memory_space<vmem>>, vector<16xf32>,
        %swap3A_415 = arith.index_cast %add3A_407 : i32 to index
        %swap3A_416 = arith.constant 64 : index
        %swap3A_417 = tpu.vector_load %arg9[%swap3A_415, %swap3A_416] {strides = array<i32>} : memref<160x128xf32, #tpu.memory_space<vmem>>, vector<16xf32>,
        tpu.vector_store %arg9[%swap3A_415, %swap3A_416], %get3A_414 {strides = array<i32>} : memref<160x128xf32, #tpu.memory_space<vmem>>, vector<16xf32>,
        %slice3A_418 = vector.extract_strided_slice %get3A_122 {offsets = [10], sizes = [1], strides = [1]} : vector<16xi32> to vector<1xi32>
        %squeeze3A_419 = vector.extract %slice3A_418[0] : i32 from vector<1xi32>
        %add3A_420 = arith.constant 16 : i32
        %add3A_421 = arith.addi %squeeze3A_419, %add3A_420 : i32
        %get3A_422 = arith.index_cast %add3A_403 : i32 to index
        %get3A_423 = arith.index_cast %add3A_421 : i32 to index
        %get3A_424 = tpu.vector_load %arg8[%get3A_422, %get3A_423] {strides = array<i32>} : memref<640x128xf32, #tpu.memory_space<vmem>>, vector<16xf32>,
        %swap3A_425 = arith.index_cast %add3A_407 : i32 to index
        %swap3A_426 = arith.constant 80 : index
        %swap3A_427 = tpu.vector_load %arg9[%swap3A_425, %swap3A_426] {strides = array<i32>} : memref<160x128xf32, #tpu.memory_space<vmem>>, vector<16xf32>,
        tpu.vector_store %arg9[%swap3A_425, %swap3A_426], %get3A_424 {strides = array<i32>} : memref<160x128xf32, #tpu.memory_space<vmem>>, vector<16xf32>,
        %mul3A_428 = arith.constant 16 : i32
        %mul3A_429 = arith.muli %scan3A_119, %mul3A_428 : i32
        %add3A_430 = arith.constant 11 : i32
        %add3A_431 = arith.addi %mul3A_429, %add3A_430 : i32
        %mul3A_432 = arith.constant 4 : i32
        %mul3A_433 = arith.muli %scan3A_119, %mul3A_432 : i32
        %add3A_434 = arith.constant 2 : i32
        %add3A_435 = arith.addi %mul3A_433, %add3A_434 : i32
        %slice3A_436 = vector.extract_strided_slice %get3A_122 {offsets = [11], sizes = [1], strides = [1]} : vector<16xi32> to vector<1xi32>
        %squeeze3A_437 = vector.extract %slice3A_436[0] : i32 from vector<1xi32>
        %add3A_438 = arith.constant 0 : i32
        %add3A_439 = arith.addi %squeeze3A_437, %add3A_438 : i32
        %get3A_440 = arith.index_cast %add3A_431 : i32 to index
        %get3A_441 = arith.index_cast %add3A_439 : i32 to index
        %get3A_442 = tpu.vector_load %arg8[%get3A_440, %get3A_441] {strides = array<i32>} : memref<640x128xf32, #tpu.memory_space<vmem>>, vector<16xf32>,
        %swap3A_443 = arith.index_cast %add3A_435 : i32 to index
        %swap3A_444 = arith.constant 96 : index
        %swap3A_445 = tpu.vector_load %arg9[%swap3A_443, %swap3A_444] {strides = array<i32>} : memref<160x128xf32, #tpu.memory_space<vmem>>, vector<16xf32>,
        tpu.vector_store %arg9[%swap3A_443, %swap3A_444], %get3A_442 {strides = array<i32>} : memref<160x128xf32, #tpu.memory_space<vmem>>, vector<16xf32>,
        %slice3A_446 = vector.extract_strided_slice %get3A_122 {offsets = [11], sizes = [1], strides = [1]} : vector<16xi32> to vector<1xi32>
        %squeeze3A_447 = vector.extract %slice3A_446[0] : i32 from vector<1xi32>
        %add3A_448 = arith.constant 16 : i32
        %add3A_449 = arith.addi %squeeze3A_447, %add3A_448 : i32
        %get3A_450 = arith.index_cast %add3A_431 : i32 to index
        %get3A_451 = arith.index_cast %add3A_449 : i32 to index
        %get3A_452 = tpu.vector_load %arg8[%get3A_450, %get3A_451] {strides = array<i32>} : memref<640x128xf32, #tpu.memory_space<vmem>>, vector<16xf32>,
        %swap3A_453 = arith.index_cast %add3A_435 : i32 to index
        %swap3A_454 = arith.constant 112 : index
        %swap3A_455 = tpu.vector_load %arg9[%swap3A_453, %swap3A_454] {strides = array<i32>} : memref<160x128xf32, #tpu.memory_space<vmem>>, vector<16xf32>,
        tpu.vector_store %arg9[%swap3A_453, %swap3A_454], %get3A_452 {strides = array<i32>} : memref<160x128xf32, #tpu.memory_space<vmem>>, vector<16xf32>,
        %mul3A_456 = arith.constant 16 : i32
        %mul3A_457 = arith.muli %scan3A_119, %mul3A_456 : i32
        %add3A_458 = arith.constant 12 : i32
        %add3A_459 = arith.addi %mul3A_457, %add3A_458 : i32
        %mul3A_460 = arith.constant 4 : i32
        %mul3A_461 = arith.muli %scan3A_119, %mul3A_460 : i32
        %add3A_462 = arith.constant 3 : i32
        %add3A_463 = arith.addi %mul3A_461, %add3A_462 : i32
        %slice3A_464 = vector.extract_strided_slice %get3A_122 {offsets = [12], sizes = [1], strides = [1]} : vector<16xi32> to vector<1xi32>
        %squeeze3A_465 = vector.extract %slice3A_464[0] : i32 from vector<1xi32>
        %add3A_466 = arith.constant 0 : i32
        %add3A_467 = arith.addi %squeeze3A_465, %add3A_466 : i32
        %get3A_468 = arith.index_cast %add3A_459 : i32 to index
        %get3A_469 = arith.index_cast %add3A_467 : i32 to index
        %get3A_470 = tpu.vector_load %arg8[%get3A_468, %get3A_469] {strides = array<i32>} : memref<640x128xf32, #tpu.memory_space<vmem>>, vector<16xf32>,
        %swap3A_471 = arith.index_cast %add3A_463 : i32 to index
        %swap3A_472 = arith.constant 0 : index
        %swap3A_473 = tpu.vector_load %arg9[%swap3A_471, %swap3A_472] {strides = array<i32>} : memref<160x128xf32, #tpu.memory_space<vmem>>, vector<16xf32>,
        tpu.vector_store %arg9[%swap3A_471, %swap3A_472], %get3A_470 {strides = array<i32>} : memref<160x128xf32, #tpu.memory_space<vmem>>, vector<16xf32>,
        %slice3A_474 = vector.extract_strided_slice %get3A_122 {offsets = [12], sizes = [1], strides = [1]} : vector<16xi32> to vector<1xi32>
        %squeeze3A_475 = vector.extract %slice3A_474[0] : i32 from vector<1xi32>
        %add3A_476 = arith.constant 16 : i32
        %add3A_477 = arith.addi %squeeze3A_475, %add3A_476 : i32
        %get3A_478 = arith.index_cast %add3A_459 : i32 to index
        %get3A_479 = arith.index_cast %add3A_477 : i32 to index
        %get3A_480 = tpu.vector_load %arg8[%get3A_478, %get3A_479] {strides = array<i32>} : memref<640x128xf32, #tpu.memory_space<vmem>>, vector<16xf32>,
        %swap3A_481 = arith.index_cast %add3A_463 : i32 to index
        %swap3A_482 = arith.constant 16 : index
        %swap3A_483 = tpu.vector_load %arg9[%swap3A_481, %swap3A_482] {strides = array<i32>} : memref<160x128xf32, #tpu.memory_space<vmem>>, vector<16xf32>,
        tpu.vector_store %arg9[%swap3A_481, %swap3A_482], %get3A_480 {strides = array<i32>} : memref<160x128xf32, #tpu.memory_space<vmem>>, vector<16xf32>,
        %mul3A_484 = arith.constant 16 : i32
        %mul3A_485 = arith.muli %scan3A_119, %mul3A_484 : i32
        %add3A_486 = arith.constant 13 : i32
        %add3A_487 = arith.addi %mul3A_485, %add3A_486 : i32
        %mul3A_488 = arith.constant 4 : i32
        %mul3A_489 = arith.muli %scan3A_119, %mul3A_488 : i32
        %add3A_490 = arith.constant 3 : i32
        %add3A_491 = arith.addi %mul3A_489, %add3A_490 : i32
        %slice3A_492 = vector.extract_strided_slice %get3A_122 {offsets = [13], sizes = [1], strides = [1]} : vector<16xi32> to vector<1xi32>
        %squeeze3A_493 = vector.extract %slice3A_492[0] : i32 from vector<1xi32>
        %add3A_494 = arith.constant 0 : i32
        %add3A_495 = arith.addi %squeeze3A_493, %add3A_494 : i32
        %get3A_496 = arith.index_cast %add3A_487 : i32 to index
        %get3A_497 = arith.index_cast %add3A_495 : i32 to index
        %get3A_498 = tpu.vector_load %arg8[%get3A_496, %get3A_497] {strides = array<i32>} : memref<640x128xf32, #tpu.memory_space<vmem>>, vector<16xf32>,
        %swap3A_499 = arith.index_cast %add3A_491 : i32 to index
        %swap3A_500 = arith.constant 32 : index
        %swap3A_501 = tpu.vector_load %arg9[%swap3A_499, %swap3A_500] {strides = array<i32>} : memref<160x128xf32, #tpu.memory_space<vmem>>, vector<16xf32>,
        tpu.vector_store %arg9[%swap3A_499, %swap3A_500], %get3A_498 {strides = array<i32>} : memref<160x128xf32, #tpu.memory_space<vmem>>, vector<16xf32>,
        %slice3A_502 = vector.extract_strided_slice %get3A_122 {offsets = [13], sizes = [1], strides = [1]} : vector<16xi32> to vector<1xi32>
        %squeeze3A_503 = vector.extract %slice3A_502[0] : i32 from vector<1xi32>
        %add3A_504 = arith.constant 16 : i32
        %add3A_505 = arith.addi %squeeze3A_503, %add3A_504 : i32
        %get3A_506 = arith.index_cast %add3A_487 : i32 to index
        %get3A_507 = arith.index_cast %add3A_505 : i32 to index
        %get3A_508 = tpu.vector_load %arg8[%get3A_506, %get3A_507] {strides = array<i32>} : memref<640x128xf32, #tpu.memory_space<vmem>>, vector<16xf32>,
        %swap3A_509 = arith.index_cast %add3A_491 : i32 to index
        %swap3A_510 = arith.constant 48 : index
        %swap3A_511 = tpu.vector_load %arg9[%swap3A_509, %swap3A_510] {strides = array<i32>} : memref<160x128xf32, #tpu.memory_space<vmem>>, vector<16xf32>,
        tpu.vector_store %arg9[%swap3A_509, %swap3A_510], %get3A_508 {strides = array<i32>} : memref<160x128xf32, #tpu.memory_space<vmem>>, vector<16xf32>,
        %mul3A_512 = arith.constant 16 : i32
        %mul3A_513 = arith.muli %scan3A_119, %mul3A_512 : i32
        %add3A_514 = arith.constant 14 : i32
        %add3A_515 = arith.addi %mul3A_513, %add3A_514 : i32
        %mul3A_516 = arith.constant 4 : i32
        %mul3A_517 = arith.muli %scan3A_119, %mul3A_516 : i32
        %add3A_518 = arith.constant 3 : i32
        %add3A_519 = arith.addi %mul3A_517, %add3A_518 : i32
        %slice3A_520 = vector.extract_strided_slice %get3A_122 {offsets = [14], sizes = [1], strides = [1]} : vector<16xi32> to vector<1xi32>
        %squeeze3A_521 = vector.extract %slice3A_520[0] : i32 from vector<1xi32>
        %add3A_522 = arith.constant 0 : i32
        %add3A_523 = arith.addi %squeeze3A_521, %add3A_522 : i32
        %get3A_524 = arith.index_cast %add3A_515 : i32 to index
        %get3A_525 = arith.index_cast %add3A_523 : i32 to index
        %get3A_526 = tpu.vector_load %arg8[%get3A_524, %get3A_525] {strides = array<i32>} : memref<640x128xf32, #tpu.memory_space<vmem>>, vector<16xf32>,
        %swap3A_527 = arith.index_cast %add3A_519 : i32 to index
        %swap3A_528 = arith.constant 64 : index
        %swap3A_529 = tpu.vector_load %arg9[%swap3A_527, %swap3A_528] {strides = array<i32>} : memref<160x128xf32, #tpu.memory_space<vmem>>, vector<16xf32>,
        tpu.vector_store %arg9[%swap3A_527, %swap3A_528], %get3A_526 {strides = array<i32>} : memref<160x128xf32, #tpu.memory_space<vmem>>, vector<16xf32>,
        %slice3A_530 = vector.extract_strided_slice %get3A_122 {offsets = [14], sizes = [1], strides = [1]} : vector<16xi32> to vector<1xi32>
        %squeeze3A_531 = vector.extract %slice3A_530[0] : i32 from vector<1xi32>
        %add3A_532 = arith.constant 16 : i32
        %add3A_533 = arith.addi %squeeze3A_531, %add3A_532 : i32
        %get3A_534 = arith.index_cast %add3A_515 : i32 to index
        %get3A_535 = arith.index_cast %add3A_533 : i32 to index
        %get3A_536 = tpu.vector_load %arg8[%get3A_534, %get3A_535] {strides = array<i32>} : memref<640x128xf32, #tpu.memory_space<vmem>>, vector<16xf32>,
        %swap3A_537 = arith.index_cast %add3A_519 : i32 to index
        %swap3A_538 = arith.constant 80 : index
        %swap3A_539 = tpu.vector_load %arg9[%swap3A_537, %swap3A_538] {strides = array<i32>} : memref<160x128xf32, #tpu.memory_space<vmem>>, vector<16xf32>,
        tpu.vector_store %arg9[%swap3A_537, %swap3A_538], %get3A_536 {strides = array<i32>} : memref<160x128xf32, #tpu.memory_space<vmem>>, vector<16xf32>,
        %mul3A_540 = arith.constant 16 : i32
        %mul3A_541 = arith.muli %scan3A_119, %mul3A_540 : i32
        %add3A_542 = arith.constant 15 : i32
        %add3A_543 = arith.addi %mul3A_541, %add3A_542 : i32
        %mul3A_544 = arith.constant 4 : i32
        %mul3A_545 = arith.muli %scan3A_119, %mul3A_544 : i32
        %add3A_546 = arith.constant 3 : i32
        %add3A_547 = arith.addi %mul3A_545, %add3A_546 : i32
        %slice3A_548 = vector.extract_strided_slice %get3A_122 {offsets = [15], sizes = [1], strides = [1]} : vector<16xi32> to vector<1xi32>
        %squeeze3A_549 = vector.extract %slice3A_548[0] : i32 from vector<1xi32>
        %add3A_550 = arith.constant 0 : i32
        %add3A_551 = arith.addi %squeeze3A_549, %add3A_550 : i32
        %get3A_552 = arith.index_cast %add3A_543 : i32 to index
        %get3A_553 = arith.index_cast %add3A_551 : i32 to index
        %get3A_554 = tpu.vector_load %arg8[%get3A_552, %get3A_553] {strides = array<i32>} : memref<640x128xf32, #tpu.memory_space<vmem>>, vector<16xf32>,
        %swap3A_555 = arith.index_cast %add3A_547 : i32 to index
        %swap3A_556 = arith.constant 96 : index
        %swap3A_557 = tpu.vector_load %arg9[%swap3A_555, %swap3A_556] {strides = array<i32>} : memref<160x128xf32, #tpu.memory_space<vmem>>, vector<16xf32>,
        tpu.vector_store %arg9[%swap3A_555, %swap3A_556], %get3A_554 {strides = array<i32>} : memref<160x128xf32, #tpu.memory_space<vmem>>, vector<16xf32>,
        %slice3A_558 = vector.extract_strided_slice %get3A_122 {offsets = [15], sizes = [1], strides = [1]} : vector<16xi32> to vector<1xi32>
        %squeeze3A_559 = vector.extract %slice3A_558[0] : i32 from vector<1xi32>
        %add3A_560 = arith.constant 16 : i32
        %add3A_561 = arith.addi %squeeze3A_559, %add3A_560 : i32
        %get3A_562 = arith.index_cast %add3A_543 : i32 to index
        %get3A_563 = arith.index_cast %add3A_561 : i32 to index
        %get3A_564 = tpu.vector_load %arg8[%get3A_562, %get3A_563] {strides = array<i32>} : memref<640x128xf32, #tpu.memory_space<vmem>>, vector<16xf32>,
        %swap3A_565 = arith.index_cast %add3A_547 : i32 to index
        %swap3A_566 = arith.constant 112 : index
        %swap3A_567 = tpu.vector_load %arg9[%swap3A_565, %swap3A_566] {strides = array<i32>} : memref<160x128xf32, #tpu.memory_space<vmem>>, vector<16xf32>,
        tpu.vector_store %arg9[%swap3A_565, %swap3A_566], %get3A_564 {strides = array<i32>} : memref<160x128xf32, #tpu.memory_space<vmem>>, vector<16xf32>,
      }
      %scan3A_101 = arith.constant 40 : i32
      %jit3A = arith.constant 4 : i32
      %div3A = arith.divsi %multiple_of3A, %jit3A : i32
      %sign3A = arith.constant 0 : i32
      %sign3A_102 = arith.cmpi sgt, %multiple_of3A, %sign3A : i32
      %sign3A_103 = arith.extui %sign3A_102 : i1 to i32
      %sign3A_104 = arith.constant 0 : i32
      %sign3A_105 = arith.cmpi slt, %multiple_of3A, %sign3A_104 : i32
      %sign3A_106 = arith.extui %sign3A_105 : i1 to i32
      %sign3A_107 = arith.subi %sign3A_103, %sign3A_106 : i32
      %sign3A_108 = arith.constant 0 : i32
      %sign3A_109 = arith.cmpi sgt, %jit3A, %sign3A_108 : i32
      %sign3A_110 = arith.extui %sign3A_109 : i1 to i32
      %sign3A_111 = arith.constant 0 : i32
      %sign3A_112 = arith.cmpi slt, %jit3A, %sign3A_111 : i32
      %sign3A_113 = arith.extui %sign3A_112 : i1 to i32
      %sign3A_114 = arith.subi %sign3A_110, %sign3A_113 : i32
      %ne3A = arith.cmpi ne, %sign3A_107, %sign3A_114 : i32
      %rem3A = arith.remsi %multiple_of3A, %jit3A : i32
      %ne3A_115 = arith.constant 0 : i32
      %ne3A_116 = arith.cmpi ne, %rem3A, %ne3A_115 : i32
      %and3A = arith.andi %ne3A, %ne3A_116 : i1
      %sub3A = arith.constant 1 : i32
      %sub3A_117 = arith.subi %div3A, %sub3A : i32
      %select_n3A = arith.select %and3A, %sub3A_117, %div3A : i32
      %multiple_of3A_118 = tpu.assume_multiple %select_n3A, 160 : i32
      "tpu.region"() ({
        %run_scoped3A = tpu.sem_alloc : memref<!tpu.dma_semaphore, #tpu.memory_space<semaphore_mem>>
        %dma_start3A_119 = arith.constant 0 : i32
        %dma_start3A_120 = tpu.memref_slice %arg4[%multiple_of3A_118, %dma_start3A_119] : memref<51200x128xf32, #tpu.memory_space<hbm>> -> memref<160x128xf32, #tpu.memory_space<hbm>>
        %dma_start3A_121 = arith.constant 0 : i32
        %dma_start3A_122 = tpu.memref_slice %arg4[%multiple_of3A_118, %dma_start3A_121] : memref<51200x128xf32, #tpu.memory_space<hbm>> -> memref<160x128xf32, #tpu.memory_space<hbm>>
        tpu.enqueue_dma source(%arg9 : memref<160x128xf32, #tpu.memory_space<vmem>>) target(%dma_start3A_122 : memref<160x128xf32, #tpu.memory_space<hbm>>) target_semaphore(%run_scoped3A : memref<!tpu.dma_semaphore, #tpu.memory_space<semaphore_mem>>)
        %dma_wait3A_123 = arith.constant 0 : i32
        %dma_wait3A_124 = tpu.memref_slice %arg4[%multiple_of3A_118, %dma_wait3A_123] : memref<51200x128xf32, #tpu.memory_space<hbm>> -> memref<160x128xf32, #tpu.memory_space<hbm>>
        %dma_wait3A_125 = arith.constant 0 : i32
        %dma_wait3A_126 = tpu.memref_slice %arg4[%multiple_of3A_118, %dma_wait3A_125] : memref<51200x128xf32, #tpu.memory_space<hbm>> -> memref<160x128xf32, #tpu.memory_space<hbm>>
        tpu.wait_dma2 semaphore(%run_scoped3A : memref<!tpu.dma_semaphore, #tpu.memory_space<semaphore_mem>>) src(%arg9 : memref<160x128xf32, #tpu.memory_space<vmem>>) dst(%dma_wait3A_126 : memref<160x128xf32, #tpu.memory_space<hbm>>)
        tpu.yield
      }) : () -> ()
    }
    %scan3A_7 = arith.constant 10 : i32
    return
  }
}

module attributes {stable_mosaic.version = 14 : i64} {
  func.func @_minmax_body(%arg0: i32, %arg1: memref<2000x128xf32, #tpu.memory_space<vmem>>, %arg2: memref<1x128xf32, #tpu.memory_space<vmem>>, %arg3: memref<1x128xf32, #tpu.memory_space<vmem>>, %arg4: memref<1xf32, #tpu.memory_space<smem>>, %arg5: memref<1xf32, #tpu.memory_space<smem>>) attributes {dimension_semantics = [#tpu.dimension_semantics<arbitrary>], iteration_bounds = array<i64: 125>, scalar_prefetch = 0 : i64, scratch_operands = 2 : i64, tpu.core_type = #tpu.core_type<tc>, window_params = [{transform_indices = @transform_0, window_bounds = array<i64: 2000, 128>}, {pipeline_mode = #tpu.pipeline_mode<synchronous>, transform_indices = @transform_1, window_bounds = array<i64: 1, 128>}, {pipeline_mode = #tpu.pipeline_mode<synchronous>, transform_indices = @transform_2, window_bounds = array<i64: 1, 128>}]} {
    %eq3A = arith.constant 0 : i32
    %eq3A_0 = arith.cmpi eq, %arg0, %eq3A : i32
    %convert_element_type3A = arith.extui %eq3A_0 : i1 to i32
    %cond3A = arith.constant 0 : i32
    %cond3A_1 = arith.cmpi ne, %convert_element_type3A, %cond3A : i32
    scf.if %cond3A_1 {
      %swap3A_24 = arith.constant 0.000000e+00 : f32
      %swap3A_25 = arith.constant 0 : index
      %swap3A_26 = memref.load %arg4[%swap3A_25] : memref<1xf32, #tpu.memory_space<smem>>
      memref.store %swap3A_24, %arg4[%swap3A_25] : memref<1xf32, #tpu.memory_space<smem>>
      %swap3A_27 = arith.constant 0.000000e+00 : f32
      %swap3A_28 = arith.constant 0 : index
      %swap3A_29 = memref.load %arg5[%swap3A_28] : memref<1xf32, #tpu.memory_space<smem>>
      memref.store %swap3A_27, %arg5[%swap3A_28] : memref<1xf32, #tpu.memory_space<smem>>
    } else {
    }
    %get3A = arith.constant 0 : index
    %get3A_2 = arith.constant 0 : index
    %get3A_3 = vector.load %arg1[%get3A, %get3A_2] : memref<2000x128xf32, #tpu.memory_space<vmem>>, vector<2000x128xf32>
    %get3A_4 = arith.constant 0 : index
    %get3A_5 = memref.load %arg4[%get3A_4] : memref<1xf32, #tpu.memory_space<smem>>
    %reduce_min3A = vector.shape_cast %get3A_3 : vector<2000x128xf32> to vector<1x2000x128xf32>
    %reduce_min3A_6 = arith.constant dense<0x7F800000> : vector<1xf32>
    %reduce_min3A_7 = vector.multi_reduction <minimumf>, %reduce_min3A, %reduce_min3A_6 [1, 2] : vector<1x2000x128xf32> to vector<1xf32>
    %reduce_min3A_8 = vector.shape_cast %reduce_min3A_7 : vector<1xf32> to vector<1x1x1xf32>
    %reduce_min3A_9 = vector.extract %reduce_min3A_8[0, 0, 0] : f32 from vector<1x1x1xf32>
    %min3A = arith.minimumf %get3A_5, %reduce_min3A_9 : f32
    %swap3A = arith.constant 0 : index
    %swap3A_10 = memref.load %arg4[%swap3A] : memref<1xf32, #tpu.memory_space<smem>>
    memref.store %min3A, %arg4[%swap3A] : memref<1xf32, #tpu.memory_space<smem>>
    %get3A_11 = arith.constant 0 : index
    %get3A_12 = memref.load %arg5[%get3A_11] : memref<1xf32, #tpu.memory_space<smem>>
    %reduce_max3A = vector.shape_cast %get3A_3 : vector<2000x128xf32> to vector<1x2000x128xf32>
    %reduce_max3A_13 = arith.constant dense<0xFF800000> : vector<1xf32>
    %reduce_max3A_14 = vector.multi_reduction <maximumf>, %reduce_max3A, %reduce_max3A_13 [1, 2] : vector<1x2000x128xf32> to vector<1xf32>
    %reduce_max3A_15 = vector.shape_cast %reduce_max3A_14 : vector<1xf32> to vector<1x1x1xf32>
    %reduce_max3A_16 = vector.extract %reduce_max3A_15[0, 0, 0] : f32 from vector<1x1x1xf32>
    %max3A = arith.maximumf %get3A_12, %reduce_max3A_16 : f32
    %swap3A_17 = arith.constant 0 : index
    %swap3A_18 = memref.load %arg5[%swap3A_17] : memref<1xf32, #tpu.memory_space<smem>>
    memref.store %max3A, %arg5[%swap3A_17] : memref<1xf32, #tpu.memory_space<smem>>
    %eq3A_19 = arith.constant 124 : i32
    %eq3A_20 = arith.cmpi eq, %arg0, %eq3A_19 : i32
    %convert_element_type3A_21 = arith.extui %eq3A_20 : i1 to i32
    %cond3A_22 = arith.constant 0 : i32
    %cond3A_23 = arith.cmpi ne, %convert_element_type3A_21, %cond3A_22 : i32
    scf.if %cond3A_23 {
      %get3A_24 = arith.constant 0 : index
      %get3A_25 = memref.load %arg4[%get3A_24] : memref<1xf32, #tpu.memory_space<smem>>
      %get3A_26 = arith.constant 0 : index
      %get3A_27 = memref.load %arg5[%get3A_26] : memref<1xf32, #tpu.memory_space<smem>>
      %sub3A = arith.subf %get3A_27, %get3A_25 : f32
      %div3A = arith.constant 2.550000e+02 : f32
      %div3A_28 = arith.divf %sub3A, %div3A : f32
      %max3A_29 = arith.constant 9.99999993E-9 : f32
      %max3A_30 = arith.maximumf %div3A_28, %max3A_29 : f32
      %neg3A = arith.constant 0.000000e+00 : f32
      %neg3A_31 = arith.subf %neg3A, %get3A_25 : f32
      %div3A_32 = arith.divf %neg3A_31, %max3A_30 : f32
      %round3A = math.roundeven %div3A_32 : f32
      %jit3A = arith.constant 0.000000e+00 : f32
      %jit3A_33 = arith.constant 2.550000e+02 : f32
      %max3A_34 = arith.maximumf %jit3A, %round3A : f32
      %min3A_35 = arith.minimumf %jit3A_33, %max3A_34 : f32
      %broadcast_in_dim3A = vector.broadcast %max3A_30 : f32 to vector<1x128xf32>
      %swap3A_36 = arith.constant 0 : index
      %swap3A_37 = arith.constant 0 : index
      %swap3A_38 = vector.load %arg2[%swap3A_36, %swap3A_37] : memref<1x128xf32, #tpu.memory_space<vmem>>, vector<1x128xf32>
      tpu.vector_store %arg2[%swap3A_36, %swap3A_37], %broadcast_in_dim3A {strides = array<i32>} : memref<1x128xf32, #tpu.memory_space<vmem>>, vector<1x128xf32>,
      %broadcast_in_dim3A_39 = vector.broadcast %min3A_35 : f32 to vector<1x128xf32>
      %swap3A_40 = arith.constant 0 : index
      %swap3A_41 = arith.constant 0 : index
      %swap3A_42 = vector.load %arg3[%swap3A_40, %swap3A_41] : memref<1x128xf32, #tpu.memory_space<vmem>>, vector<1x128xf32>
      tpu.vector_store %arg3[%swap3A_40, %swap3A_41], %broadcast_in_dim3A_39 {strides = array<i32>} : memref<1x128xf32, #tpu.memory_space<vmem>>, vector<1x128xf32>,
    } else {
    }
    return
  }
  func.func @transform_0(%arg0: i32) -> (i32, i32) {
    %c0_i32 = arith.constant 0 : i32
    %c0_i32_0 = arith.constant 0 : i32
    return %arg0, %c0_i32 : i32, i32
  }
  func.func @transform_1(%arg0: i32) -> (i32, i32) {
    %c0_i32 = arith.constant 0 : i32
    %c0_i32_0 = arith.constant 0 : i32
    %c0_i32_1 = arith.constant 0 : i32
    return %c0_i32, %c0_i32_0 : i32, i32
  }
  func.func @transform_2(%arg0: i32) -> (i32, i32) {
    %c0_i32 = arith.constant 0 : i32
    %c0_i32_0 = arith.constant 0 : i32
    %c0_i32_1 = arith.constant 0 : i32
    return %c0_i32, %c0_i32_0 : i32, i32
  }
}

module attributes {stable_mosaic.version = 14 : i64} {
  func.func @_transform_body(%arg0: i32, %arg1: memref<2000x128xf32, #tpu.memory_space<vmem>>, %arg2: memref<2000x128xi8, #tpu.memory_space<vmem>>, %arg3: memref<1x128xf32, #tpu.memory_space<vmem>>, %arg4: memref<1x128xf32, #tpu.memory_space<vmem>>, %arg5: memref<2000x128xf32, #tpu.memory_space<vmem>>) attributes {dimension_semantics = [#tpu.dimension_semantics<arbitrary>], iteration_bounds = array<i64: 125>, scalar_prefetch = 0 : i64, scratch_operands = 0 : i64, tpu.core_type = #tpu.core_type<tc>, window_params = [{transform_indices = @transform_0, window_bounds = array<i64: 2000, 128>}, {transform_indices = @transform_1, window_bounds = array<i64: 2000, 128>}, {pipeline_mode = #tpu.pipeline_mode<synchronous>, transform_indices = @transform_2, window_bounds = array<i64: 1, 128>}, {pipeline_mode = #tpu.pipeline_mode<synchronous>, transform_indices = @transform_3, window_bounds = array<i64: 1, 128>}, {transform_indices = @transform_4, window_bounds = array<i64: 2000, 128>}]} {
    %get3A = arith.constant 0 : index
    %get3A_0 = arith.constant 0 : index
    %get3A_1 = vector.load %arg3[%get3A, %get3A_0] : memref<1x128xf32, #tpu.memory_space<vmem>>, vector<1x128xf32>
    %get3A_2 = arith.constant 0 : index
    %get3A_3 = arith.constant 0 : index
    %get3A_4 = vector.load %arg4[%get3A_2, %get3A_3] : memref<1x128xf32, #tpu.memory_space<vmem>>, vector<1x128xf32>
    %get3A_5 = arith.constant 0 : index
    %get3A_6 = arith.constant 0 : index
    %get3A_7 = vector.load %arg1[%get3A_5, %get3A_6] : memref<2000x128xf32, #tpu.memory_space<vmem>>, vector<2000x128xf32>
    %get3A_8 = arith.constant 0 : index
    %get3A_9 = arith.constant 0 : index
    %get3A_10 = vector.load %arg2[%get3A_8, %get3A_9] : memref<2000x128xi8, #tpu.memory_space<vmem>>, vector<2000x128xi8>
    %div3A = vector.broadcast %get3A_1 : vector<1x128xf32> to vector<2000x128xf32>
    %div3A_11 = arith.divf %get3A_7, %div3A : vector<2000x128xf32>
    %add3A = vector.broadcast %get3A_4 : vector<1x128xf32> to vector<2000x128xf32>
    %add3A_12 = arith.addf %div3A_11, %add3A : vector<2000x128xf32>
    %round3A = math.roundeven %add3A_12 : vector<2000x128xf32>
    %jit3A = arith.constant 0.000000e+00 : f32
    %jit3A_13 = arith.constant 2.550000e+02 : f32
    %max3A = vector.broadcast %jit3A : f32 to vector<2000x128xf32>
    %max3A_14 = arith.maximumf %max3A, %round3A : vector<2000x128xf32>
    %min3A = vector.broadcast %jit3A_13 : f32 to vector<2000x128xf32>
    %min3A_15 = arith.minimumf %min3A, %max3A_14 : vector<2000x128xf32>
    %sub3A = vector.broadcast %get3A_4 : vector<1x128xf32> to vector<2000x128xf32>
    %sub3A_16 = arith.subf %min3A_15, %sub3A : vector<2000x128xf32>
    %mul3A = vector.broadcast %get3A_1 : vector<1x128xf32> to vector<2000x128xf32>
    %mul3A_17 = arith.mulf %sub3A_16, %mul3A : vector<2000x128xf32>
    %ne3A = arith.constant 0 : i8
    %ne3A_18 = vector.broadcast %ne3A : i8 to vector<2000x128xi8>
    %ne3A_19 = arith.cmpi ne, %get3A_10, %ne3A_18 : vector<2000x128xi8>
    %sub3A_20 = arith.subf %mul3A_17, %get3A_7 : vector<2000x128xf32>
    %jit3A_21 = arith.constant 0.000000e+00 : f32
    %broadcast_in_dim3A = vector.broadcast %jit3A_21 : f32 to vector<2000x128xf32>
    %select_n3A = arith.select %ne3A_19, %broadcast_in_dim3A, %sub3A_20 : vector<2000x128xi1>, vector<2000x128xf32>
    %neg3A = arith.constant 0.000000e+00 : f32
    %neg3A_22 = vector.broadcast %neg3A : f32 to vector<1x128xf32>
    %neg3A_23 = arith.subf %neg3A_22, %get3A_1 : vector<1x128xf32>
    %mul3A_24 = arith.mulf %neg3A_23, %get3A_4 : vector<1x128xf32>
    %sub3A_25 = arith.constant 2.550000e+02 : f32
    %sub3A_26 = vector.broadcast %sub3A_25 : f32 to vector<1x128xf32>
    %sub3A_27 = arith.subf %sub3A_26, %get3A_4 : vector<1x128xf32>
    %mul3A_28 = arith.mulf %get3A_1, %sub3A_27 : vector<1x128xf32>
    %max3A_29 = vector.broadcast %mul3A_24 : vector<1x128xf32> to vector<2000x128xf32>
    %max3A_30 = arith.maximumf %max3A_29, %get3A_7 : vector<2000x128xf32>
    %min3A_31 = vector.broadcast %mul3A_28 : vector<1x128xf32> to vector<2000x128xf32>
    %min3A_32 = arith.minimumf %min3A_31, %max3A_30 : vector<2000x128xf32>
    %add3A_33 = arith.addf %min3A_32, %select_n3A : vector<2000x128xf32>
    %swap3A = arith.constant 0 : index
    %swap3A_34 = arith.constant 0 : index
    %swap3A_35 = vector.load %arg5[%swap3A, %swap3A_34] : memref<2000x128xf32, #tpu.memory_space<vmem>>, vector<2000x128xf32>
    tpu.vector_store %arg5[%swap3A, %swap3A_34], %add3A_33 {strides = array<i32>} : memref<2000x128xf32, #tpu.memory_space<vmem>>, vector<2000x128xf32>,
    return
  }
  func.func @transform_0(%arg0: i32) -> (i32, i32) {
    %c0_i32 = arith.constant 0 : i32
    %c0_i32_0 = arith.constant 0 : i32
    return %arg0, %c0_i32 : i32, i32
  }
  func.func @transform_1(%arg0: i32) -> (i32, i32) {
    %c0_i32 = arith.constant 0 : i32
    %c0_i32_0 = arith.constant 0 : i32
    return %arg0, %c0_i32 : i32, i32
  }
  func.func @transform_2(%arg0: i32) -> (i32, i32) {
    %c0_i32 = arith.constant 0 : i32
    %c0_i32_0 = arith.constant 0 : i32
    %c0_i32_1 = arith.constant 0 : i32
    return %c0_i32, %c0_i32_0 : i32, i32
  }
  func.func @transform_3(%arg0: i32) -> (i32, i32) {
    %c0_i32 = arith.constant 0 : i32
    %c0_i32_0 = arith.constant 0 : i32
    %c0_i32_1 = arith.constant 0 : i32
    return %c0_i32, %c0_i32_0 : i32, i32
  }
  func.func @transform_4(%arg0: i32) -> (i32, i32) {
    %c0_i32 = arith.constant 0 : i32
    %c0_i32_0 = arith.constant 0 : i32
    return %arg0, %c0_i32 : i32, i32
  }
}

</mosaic_0001>

<sc_bundles>
// kernel: kernel.5.cloned.1.call-start
scs
__scs_entry_jumppad:
0x0: {  	(pc) =	sbr.rel $0x88, $3  }
0x1: {  	(tag) =	ssettag $0x0;
	lr =	simm.s32 $0x1  }
0x2: {  	[smem:$0x3F9E] =	sst lr;
	_ =	strace $0xD0000000  }
0x3: {  	_ = 	snop  }
0x4: {  	_ = 	snop  }
0x5: {  	_ = 	snop  }
0x6: {  	_ = 	snop  }
0x7: {  	_ = 	snop  }
__scs_overlays_trampoline_lowered:
0x8: {  	[smem:$0x3FAD] =	sst s0  }
0x9: {  	[smem:$0x3FAE] =	sst s1  }
0xa: {  	[smem:$0x3FAF] =	sst s2  }
0xb: {  	[smem:$0x3FB0] =	sst s3  }
0xc: {  	[smem:$0x3FB1] =	sst s4  }
0xd: {  	[smem:$0x3FB2] =	sst s5  }
0xe: {  	[smem:$0x3FB3] =	sst s6  }
0xf: {  	[smem:$0x3FB4] =	sst s7  }
0x10: {  	[smem:$0x3FB5] =	sst s8  }
0x11: {  	[smem:$0x3FB6] =	sst s9;
	s0 =	simm.s32 @!p0 $0x0  }
0x12: {  	s1 =	sld [smem:$0x3F9C];
	s0 =	simm.s32 @p0 $0x1  }
0x13: {  	[smem:$0x3FB7] =	sst s0;
	s0 =	simm.s32 @!p1 $0x0  }
0x14: {  	s2 =	sld [smem:$0x3F9B];
	s0 =	simm.s32 @p1 $0x1  }
0x15: {  	[smem:$0x3FB8] =	sst s0;
	s0 =	simm.s32 @!p2 $0x0  }
0x16: {  	s3 =	sld [smem:$0x3FDB];
	s0 =	simm.s32 @p2 $0x1  }
0x17: {  	s4 =	simm.s32 $0x1BF5;
	[smem:$0x3FBA] =	sst s0  }
0x18: {  	s0 =	sld [smem:$0x3F9D];
	_ =	swait.ge [sflag:s4], $0x0  }
0x19: {  	s7 =	sld [smem:$0x3F9E]  }
0x1a: {  	s8 =	sadd.s32 $0xFFFFE003, lr  }
0x1b: {  	s9 =	sadd.s32 $0xFFFFFEF7, lr;
	s5 =	simm.s32 $0xFFFFFFFF;
	p2 =	slt.u32 s8, $0xFFFFF086  }
0x1c: {  	p1 =	slt.u32 s9, $0xF7A;
	s5 =	simm.s32 @!p2 $0x0  }
0x1d: {  	s5 =	simm.s32 @p1 $0x1;
	p0 =	seq.s32 s7, s2  }
0x1e: {  	s7 =	smul.u32 @!p0 $0xF7A, s2;
	p2 =	seq.s32 @!p0 s5, $0x0  }
0x1f: {  	s9 =	smul.u32 $0xF7A, s1;
	s8 =	simm.s32 @!p0 $0x1BF5;
	p2 =	por !p2, p0  }
0x20: {  	[sflag:s8] =	ssyncset.s32 @!p0 $0xFFFFF086;
	s6 =	sadd.s32 @!p0 s3, s7;
	s7 =	simm.s32 @!p0 $0x108  }
0x21: {  	s3 =	sadd.s32 s3, s9;
	s6 =	sadd.s32 @!p0 $0x88, s6;
	s7 =	simm.s32 @p2 $0x1082  }
0x22: {  	[simem:s7], [sflag:s8] =	dma.local @!p0 [hbm:s6], $0xF7A  }
0x23: {  	s9 =	sor.u32 $0xD0000000, s2;
	s6 =	simm.s32 $0x108;
	_ =	swait.ge @!p0 [sflag:s8], $0x0  }
0x24: {  	s3 =	sadd.s32 $0x88, s3;
	s6 =	simm.s32 @!p1 $0x1082;
	[sflag:s4] =	ssyncset.s32 $0xFFFFF086  }
0x25: {  	[simem:s6], [sflag:s4] =	dma.local [hbm:s3], $0xF7A  }
0x26: {  	[smem:$0x3F9E] =	sst s1;
	(tag) =	ssettag s2;
	_ =	strace s9  }
0x27: {  	s1 =	sld [smem:$0x3FAE]  }
0x28: {  	s2 =	sld [smem:$0x3FAF]  }
0x29: {  	s4 =	sld [smem:$0x3FB1]  }
0x2a: {  	p0 =	seq.s32 s5, $0x0;
	s5 =	sld [smem:$0x3FB2]  }
0x2b: {  	s6 =	sld [smem:$0x3FB3]  }
0x2c: {  	s7 =	sld [smem:$0x3FB4]  }
0x2d: {  	s3 =	simm.s32 $0x108;
	s8 =	sld [smem:$0x3FB5]  }
0x2e: {  	s3 =	simm.s32 @!p0 $0x1082;
	s9 =	sld [smem:$0x3FB6]  }
0x2f: {  	lr =	sadd.s32 s0, s3;
	s0 =	sld [smem:$0x3FAD]  }
0x30: {  	s3 =	sld [smem:$0x3FB0]  }
0x31: {  	[smem:$0x3FB9] =	sst s10  }
0x32: {  	s10 =	sld [smem:$0x3FB7];
	_ =	sdelay $0x3  }
0x33: {  	p0 =	seq.s32 s10, $0x1;
	s10 =	sld [smem:$0x3FB9];
	_ =	sdelay $0x3  }
0x34: {  	[smem:$0x3FB9] =	sst s10  }
0x35: {  	s10 =	sld [smem:$0x3FB8];
	_ =	sdelay $0x3  }
0x36: {  	p1 =	seq.s32 s10, $0x1;
	s10 =	sld [smem:$0x3FB9];
	_ =	sdelay $0x3  }
0x37: {  	[smem:$0x3FB9] =	sst s10  }
0x38: {  	s10 =	sld [smem:$0x3FBA]  }
0x39: {  	_ = 	snop;
	(pc) =	sbr.ind lr, $3  }
0x3a: {  	_ = 	snop  }
0x3b: {  	_ = 	snop  }
0x3c: {  	p2 =	seq.s32 s10, $0x1;
	s10 =	sld [smem:$0x3FB9]  }
0x3d: {  	_ =	shalt  }
0x3e: {  	_ =	shalt  }
0x3f: {  	_ =	shalt  }
0x40: {  	_ =	shalt  }
0x41: {  	_ =	shalt  }
0x42: {  	_ =	shalt  }
0x43: {  	_ =	shalt  }
0x44: {  	_ =	shalt  }
0x45: {  	_ =	shalt  }
0x46: {  	_ =	shalt  }
0x47: {  	_ =	shalt  }
0x48: {  	_ =	shalt  }
0x49: {  	_ =	shalt  }
0x4a: {  	_ =	shalt  }
0x4b: {  	_ =	shalt  }
0x4c: {  	_ =	shalt  }
0x4d: {  	_ =	shalt  }
0x4e: {  	_ =	shalt  }
0x4f: {  	_ =	shalt  }
0x50: {  	_ =	shalt  }
0x51: {  	_ =	shalt  }
0x52: {  	_ =	shalt  }
0x53: {  	_ =	shalt  }
0x54: {  	_ =	shalt  }
0x55: {  	_ =	shalt  }
0x56: {  	_ =	shalt  }
0x57: {  	_ =	shalt  }
0x58: {  	_ =	shalt  }
0x59: {  	_ =	shalt  }
0x5a: {  	_ =	shalt  }
0x5b: {  	_ =	shalt  }
0x5c: {  	_ =	shalt  }
0x5d: {  	_ =	shalt  }
0x5e: {  	_ =	shalt  }
0x5f: {  	_ =	shalt  }
0x60: {  	_ =	shalt  }
0x61: {  	_ =	shalt  }
0x62: {  	_ =	shalt  }
0x63: {  	_ =	shalt  }
0x64: {  	_ =	shalt  }
0x65: {  	_ =	shalt  }
0x66: {  	_ =	shalt  }
0x67: {  	_ =	shalt  }
0x68: {  	_ =	shalt  }
0x69: {  	_ =	shalt  }
0x6a: {  	_ =	shalt  }
0x6b: {  	_ =	shalt  }
0x6c: {  	_ =	shalt  }
0x6d: {  	_ =	shalt  }
0x6e: {  	_ =	shalt  }
0x6f: {  	_ =	shalt  }
0x70: {  	_ =	shalt  }
0x71: {  	_ =	shalt  }
0x72: {  	_ =	shalt  }
0x73: {  	_ =	shalt  }
0x74: {  	_ =	shalt  }
0x75: {  	_ =	shalt  }
0x76: {  	_ =	shalt  }
0x77: {  	_ =	shalt  }
0x78: {  	_ =	shalt  }
0x79: {  	_ =	shalt  }
0x7a: {  	_ =	shalt  }
0x7b: {  	_ =	shalt  }
0x7c: {  	_ =	shalt  }
0x7d: {  	_ =	shalt  }
0x7e: {  	_ =	shalt  }
0x7f: {  	_ =	shalt  }
0x80: {  	_ =	shalt  }
0x81: {  	_ =	shalt  }
0x82: {  	_ =	shalt  }
0x83: {  	_ =	shalt  }
0x84: {  	_ =	shalt  }
0x85: {  	_ =	shalt  }
0x86: {  	_ =	shalt  }
0x87: {  	_ =	shalt  }
.Lfunc_end0:
.L_simem_size_0:
called_computation_lowered:
.L_overlay_start_0:
0x88: {  	s2 =	sld [smem:$0x3FD9]  }
0x89: {  	s3 =	sld [smem:$0x3FFE];
	_ =	sdelay $0x1  }
0x8a: {  	s1 =	srdreg.scid  }
0x8b: {  	s0 =	sand.u32 $0x1, s1  }
0x8c: {  	s17 =	sshll.u32 s0, $0xA;
	s2 =	sadd.s32 s3, s2  }
0x8d: {  	s2 =	sadd.s32 s2, s17  }
0x8e: {  	[smem:$0x3FC5] =	sst s2  }
0x8f: {  	_ = 	snop  }
0x90: {  	s2 =	sld [smem:$0x3FD0];
	(tm) =	ssettm $0x1  }
0x91: {  	s18 =	sld [smem:$0x3FFB];
	_ =	sdelay $0x3  }
0x92: {  	_ =	strace s18  }
0x93: {  	s3 =	sld [smem:$0x3FFC];
	_ =	sdelay $0x3  }
0x94: {  	_ =	strace s3  }
0x95: {  	s3 =	sld [smem:$0x3FFD];
	_ =	sdelay $0x3  }
0x96: {  	_ =	strace s3  }
0x97: {  	_ =	strace $0x8FFFFFFF  }
0x98: {  	s19 =	sld [smem:$0x3FDB];
	_ =	sdelay $0x1  }
0x99: {  	s4 =	simm.s32 $_scs_section_size  }
0x9a: {  	s5 =	simm.s32 $_size__tile_overlayer_lowered;
	s6 =	simm.s32 $_tile_overlayer_lowered  }
0x9b: {  	s22 =	simm.s32 $0x1BFF;
	s21 =	sshll.u32 s6, $0x1;
	s3 =	sadd.s32 s4, s19  }
0x9c: {  	s7 =	simm.s32 $0x0;
	s20 =	sshll.u32 s5, $0x1;
	s5 =	sadd.s32 s21, s3  }
0x9d: {  	[timem:s7], [sflag:s22] =	dma.local [hbm:s5], s20  }
0x9e: {  	_ =	swait.ge [sflag:s22], s20  }
0x9f: {  	s4 =	ssub.s32 $0x0, s20;
	[sflag:s22] =	ssyncset.done $0x0  }
0xa0: {  	[sflag:s22] =	ssyncadd.s32 s4;
	_ =	sdelay $0x1  }
0xa1: {  	s23 =	simm.s32 $0x1B8B  }
0xa2: {  	_ =	swait.ge [sflag:s23], $0x1  }
0xa3: {  	[sflag:s23] =	ssyncset.done $0x0  }
0xa4: {  	s25 =	simm.s32 $0x1B8E;
	s24 =	sld [smem:$0x3FFE];
	[sflag:s23] =	ssyncadd.s32 $0xFFFFFFFF  }
0xa5: {  	s26 =	simm.s32 $execute0_lowered;
	[smem:$0x3FD2] =	sst s25  }
0xa6: {  	s5 =	sshll.u32 s26, $0x1;
	_ =	strace $0x80000046;
	[dreg:$0x1] =	wrdreg $0xFFFFFFFF  }
0xa7: {  	s28 =	simm.s32 $_size_execute0_lowered;
	s3 =	sadd.s32 s3, s5;
	[dreg:$0x0] =	wrdreg $0x0  }
0xa8: {  	s5 =	sshll.u32 s28, $0x1;
	[dreg:$0x2] =	wrdreg s3  }
0xa9: {  	[dreg:$0x3] =	wrdreg s5  }
0xaa: {  	[dreg:$0x4] =	wrdreg $0xC0  }
0xab: {  	_ =	task [dreg:s7], $0x5FFFF  }
0xac: {  	[dreg:$0x1] =	wrdreg $0xFFFFFFFF  }
0xad: {  	[dreg:$0x0] =	wrdreg $0x60  }
0xae: {  	[dreg:$0x2] =	wrdreg s24  }
0xaf: {  	[dreg:$0x3] =	wrdreg s2  }
0xb0: {  	[dreg:$0x4] =	wrdreg $0x9  }
0xb1: {  	_ =	task.clear_ibuf [dreg:s7], $0x5FFFF;
	_ =	strace $0x90000046  }
0xb2: {  	s29 =	simm.s32 $0x9;
	_ =	strace $0x80000048  }
0xb3: {  	_ =	swait.ge [sflag:s29], $0x1  }
0xb4: {  	[sflag:s29] =	ssyncadd.s32 $0xFFFFFFFF  }
0xb5: {  	_ =	strace $0x90000048  }
0xb6: {  	_ =	sfence  }
0xb7: {  	s30 =	sld [smem:$0x0];
	_ =	sdelay $0x2  }
0xb8: {  	s31 =	sshll.u32 s1, $0xD;
	s1 =	sshrl.u32 s1, $0x2  }
0xb9: {  	s3 =	sand.u32 $0x4000, s31;
	s1 =	sadd.s32 s1, s30  }
0xba: {  	s0 =	sor.u32 s3, s0;
	s1 =	sshll.u32 s1, $0x11  }
0xbb: {  	s0 =	sor.u32 s1, s0  }
0xbc: {  	s0 =	sadd.s32 $0x8F2B, s0  }
0xbd: {  	[sflag:s0] =	ssyncadd.remote.s32 $0x1  }
0xbe: {  	_ =	sfence.sel $0xFFFF  }
0xbf: {  	[dreg:$0x0] =	wrdreg $0xFFFFFFFF;
	(pc) =	sbr.abs _section_cstart, $3  }
0xc0: {  	[dreg:$0x1] =	wrdreg $0xFFFFFFFF  }
0xc1: {  	_ =	task.clear_ibuf [dreg:s7], $0x2FFFF;
	_ =	strace $0x9FFFFFFF  }
0xc2: {  	(tm) =	ssettm $0x7FFFFFFF  }
0xc3: {  	_ =	shalt  }
tec
execute0_lowered:
.L_overlay_start_1:
0x0: {  	(tag) =	ssettag $0x1  }
0x1: {  	s0 =	rddreg [dreg:$0x0]  }
0x2: {  	s1 =	srdreg.scid;
	s2 =	simm.s32 $0x0;
	s4 =	stileid.u32  }
0x3: {  	s8 =	simm.s32 $0x2;
	s9 =	simm.s32 $0x80;
	s1 =	sand.u32 $0x1, s1  }
0x4: {  	s20 =	simm.s32 $0x1;
	[smem:$0x7FF] =	sst s2;
	s29 =	ssub.s32 $0x2, s1  }
0x5: {  	s5 =	sshll.u32 s4, $0x1;
	s30 =	sadd.s32 $0x800, s0;
	s3 =	sshrl.u32 s29, $0x1  }
0x6: {  	_ =	strace $0x80000047;
	[dreg:$0x3] =	wrdreg s30;
	s2 =	ssub.s32 s29, s3  }
0x7: {  	s1 =	sor.u32 s1, s5;
	s5 =	sadd.s32 $0x4C5600, s0;
	s31 =	smax.u32 s2, $0x1  }
0x8: {  	s6 =	smul.u32 $0x1900, s1;
	s1 =	simm.s32 $0x0;
	[dreg:$0x4] =	wrdreg s31  }
.LBB2_1:
0x9: {  	[dreg:$0x5] =	wrdreg s1;
	s23 =	simm.s32 $0x0  }
.LBB2_2:
0xa: {  	s0 =	smul.u32 $0x280, s23;
	_ =	sdelay $0x1  }
0xb: {  	s24 =	sadd.s32 s6, s0  }
0xc: {  	s1 =	rddreg [dreg:$0x3];
	s0 =	sshrl.u32 s24, $0x3  }
0xd: {  	s31 =	simm.s32 $0x0;
	s0 =	sadd.s32 s1, s0  }
0xe: {  	[tilespmem:s31], [sflag:$0x2] =	stream.linear.gather [hbm4b:s0+s31], $0x280, $0x38;
	[tilespmem:$0x19780] =	vst v63  }
0xf: {  	_ =	swait.ge [sflag:s8], $0x280  }
0x10: {  	[sflag:s8] =	ssyncset.done $0x0  }
0x11: {  	s0 =	simm.s32 $0x0;
	[sflag:s8] =	ssyncadd.s32 $0xFFFFFD80  }
0x12: {  	v0 =	vld [tilespmem:s0+$0x0]  }
0x13: {  	s1 =	simm.s32 $0x40  }
.LBB2_3:
0x14: {  	p0 =	sne.s32 s1, $0x9C0  }
.Ltmp0:
0x15: {  	_ = 	snop;
	(pc) =	sbr.rel @p0 .LBB2_3-.Ltmp0, $4  }
0x16: {  	_ = 	snop  }
0x17: {  	s2 =	sshra.s32 s1, $0x2;
	s1 =	sadd.s32 $0x40, s1;
	v1 =	vshra.s32 v0, $0x2;
	v2 =	vshll.u32 v0, $0x5  }
0x18: {  	v0 =	vld [tilespmem:s2+$0x0];
	[tilespmem:s0+$0x280] =	vst v1;
	v1 =	vand.u32 $0x60, v2  }
0x19: {  	[tilespmem:s0+$0x500] =	vst v1;
	s0 =	smov.u32 s2  }
0x1a: {  	_ =	sdelay $0x2  }
0x1b: {  	v1 =	vshra.s32 v0, $0x2;
	v0 =	vshll.u32 v0, $0x5  }
0x1c: {  	[tilespmem:s0+$0x280] =	vst v1;
	v0 =	vand.u32 $0x60, v0  }
0x1d: {  	s4 =	simm.s32 $0x280;
	s1 =	simm.s32 $0x780;
	[tilespmem:s0+$0x500] =	vst v0  }
0x1e: {  	[tilespmem:s1], [sflag:$0x1] =	stream.indirect.gather [hbm4b:s5+s9], $0x80, s4, s9, $0xb8;
	[tilespmem:$0x19780] =	vst v63  }
0x1f: {  	s7 =	simm.s32 $0x300;
	s10 =	simm.s32 $0x4780  }
0x20: {  	[tilespmem:s10], [sflag:$0x1] =	stream.indirect.gather [hbm4b:s5+s9], $0x80, s7, s9, $0xb8;
	[tilespmem:$0x19780] =	vst v63  }
0x21: {  	s11 =	simm.s32 $0x380;
	s12 =	simm.s32 $0x8780  }
0x22: {  	[tilespmem:s12], [sflag:$0x1] =	stream.indirect.gather [hbm4b:s5+s9], $0x80, s11, s9, $0xb8;
	[tilespmem:$0x19780] =	vst v63  }
0x23: {  	s13 =	simm.s32 $0x400;
	s14 =	simm.s32 $0xC780  }
0x24: {  	[tilespmem:s14], [sflag:$0x1] =	stream.indirect.gather [hbm4b:s5+s9], $0x80, s13, s9, $0xb8;
	[tilespmem:$0x19780] =	vst v63  }
0x25: {  	s15 =	simm.s32 $0x480;
	s16 =	simm.s32 $0x10780  }
0x26: {  	[tilespmem:s16], [sflag:$0x1] =	stream.indirect.gather [hbm4b:s5+s9], $0x80, s15, s9, $0xb8;
	[tilespmem:$0x19780] =	vst v63  }
0x27: {  	_ =	swait.ge [sflag:s20], $0x4000  }
0x28: {  	[sflag:s20] =	ssyncset.done $0x0  }
0x29: {  	[sflag:s20] =	ssyncadd.s32 $0xFFFFC000  }
0x2a: {  	_ =	swait.ge [sflag:s20], $0x4000  }
0x2b: {  	[sflag:s20] =	ssyncset.done $0x0  }
0x2c: {  	[sflag:s20] =	ssyncadd.s32 $0xFFFFC000  }
0x2d: {  	_ =	swait.ge [sflag:s20], $0x4000  }
0x2e: {  	[sflag:s20] =	ssyncset.done $0x0  }
0x2f: {  	[sflag:s20] =	ssyncadd.s32 $0xFFFFC000  }
0x30: {  	_ =	swait.ge [sflag:s20], $0x4000  }
0x31: {  	[sflag:s20] =	ssyncset.done $0x0  }
0x32: {  	[sflag:s20] =	ssyncadd.s32 $0xFFFFC000  }
0x33: {  	_ =	swait.ge [sflag:s20], $0x4000  }
0x34: {  	[sflag:s20] =	ssyncset.done $0x0  }
0x35: {  	s25 =	simm.s32 $0x500;
	[sflag:s20] =	ssyncadd.s32 $0xFFFFC000  }
0x36: {  	v0 =	vld [tilespmem:s25+$0x0];
	_ =	sdelay $0x4  }
0x37: {  	(v2sf) =	vpush v0, $0x0;
	_ =	sdelay $0xb  }
0x38: {  	(v2sf) =	vpush v0, $0x1;
	_ =	sdelay $0x2  }
0x39: {  	s17 =	spop (v2sf)  }
0x3a: {  	s18 =	sand.u32 $0x7F, s17;
	s2 =	sshll.u32 s17, $0x2  }
0x3b: {  	s2 =	sand.u32 $0xFFFFFE00, s2;
	s1 =	sshll.u32 s18, $0x2  }
0x3c: {  	s1 =	sor.u32 s1, s2  }
0x3d: {  	s1 =	sshra.s32 s1, $0x2  }
0x3e: {  	s1 =	sadd.s32 $0x0, s1  }
0x3f: {  	s0 =	sadd.s32 $0x10, s17;
	v1 =	vld [tilespmem:s1+$0x780]  }
0x40: {  	s19 =	sand.u32 $0x7F, s0;
	s0 =	sshll.u32 s0, $0x2  }
0x41: {  	s0 =	sand.u32 $0xFFFFFE00, s0;
	s1 =	sshll.u32 s19, $0x2  }
0x42: {  	(v2sf) =	vpush v0, $0x2;
	s0 =	sor.u32 s1, s0  }
0x43: {  	s26 =	simm.s32 $0x14880;
	s0 =	sshra.s32 s0, $0x2  }
0x44: {  	s0 =	sadd.s32 $0x0, s0;
	[tilespmem:s26+$0xFFFFFF00] =	vst v1  }
0x45: {  	s21 =	spop (v2sf);
	v1 =	vld [tilespmem:s0+$0x780]  }
0x46: {  	s22 =	sand.u32 $0x7F, s21;
	s29 =	sshll.u32 s21, $0x2  }
0x47: {  	s2 =	sand.u32 $0xFFFFFE00, s29;
	s0 =	sshll.u32 s22, $0x2  }
0x48: {  	s0 =	sor.u32 s0, s2  }
0x49: {  	s0 =	sshra.s32 s0, $0x2  }
0x4a: {  	s0 =	sadd.s32 $0x0, s0;
	[tilespmem:s26+$0xFFFFFF10] =	vst v1  }
0x4b: {  	s1 =	sadd.s32 $0x10, s21;
	v1 =	vld [tilespmem:s0+$0x800]  }
0x4c: {  	s30 =	sand.u32 $0x7F, s1;
	s1 =	sshll.u32 s1, $0x2  }
0x4d: {  	s1 =	sand.u32 $0xFFFFFE00, s1;
	s0 =	sshll.u32 s30, $0x2  }
0x4e: {  	(v2sf) =	vpush v0, $0x3;
	s0 =	sor.u32 s0, s1  }
0x4f: {  	s0 =	sshra.s32 s0, $0x2  }
0x50: {  	s0 =	sadd.s32 $0x0, s0;
	[tilespmem:s26+$0xFFFFFF20] =	vst v1  }
0x51: {  	s31 =	spop (v2sf);
	v1 =	vld [tilespmem:s0+$0x800]  }
0x52: {  	s3 =	sand.u32 $0x7F, s31;
	s4 =	sshll.u32 s31, $0x2  }
0x53: {  	s2 =	sand.u32 $0xFFFFFE00, s4;
	s0 =	sshll.u32 s3, $0x2  }
0x54: {  	s0 =	sor.u32 s0, s2  }
0x55: {  	s0 =	sshra.s32 s0, $0x2  }
0x56: {  	s0 =	sadd.s32 $0x0, s0;
	[tilespmem:s26+$0xFFFFFF30] =	vst v1  }
0x57: {  	s1 =	sadd.s32 $0x10, s31;
	v1 =	vld [tilespmem:s0+$0x880]  }
0x58: {  	s7 =	sand.u32 $0x7F, s1;
	s1 =	sshll.u32 s1, $0x2  }
0x59: {  	s1 =	sand.u32 $0xFFFFFE00, s1;
	s0 =	sshll.u32 s7, $0x2  }
0x5a: {  	(v2sf) =	vpush v0, $0x4;
	s0 =	sor.u32 s0, s1  }
0x5b: {  	s0 =	sshra.s32 s0, $0x2  }
0x5c: {  	s0 =	sadd.s32 $0x0, s0;
	[tilespmem:s26+$0xFFFFFF40] =	vst v1  }
0x5d: {  	s10 =	spop (v2sf);
	v1 =	vld [tilespmem:s0+$0x880]  }
0x5e: {  	s11 =	sand.u32 $0x7F, s10;
	s12 =	sshll.u32 s10, $0x2  }
0x5f: {  	s2 =	sand.u32 $0xFFFFFE00, s12;
	s0 =	sshll.u32 s11, $0x2  }
0x60: {  	s0 =	sor.u32 s0, s2  }
0x61: {  	s0 =	sshra.s32 s0, $0x2  }
0x62: {  	s0 =	sadd.s32 $0x0, s0;
	[tilespmem:s26+$0xFFFFFF50] =	vst v1  }
0x63: {  	s1 =	sadd.s32 $0x10, s10;
	v1 =	vld [tilespmem:s0+$0x900]  }
0x64: {  	s13 =	sand.u32 $0x7F, s1;
	s1 =	sshll.u32 s1, $0x2  }
0x65: {  	s1 =	sand.u32 $0xFFFFFE00, s1;
	s0 =	sshll.u32 s13, $0x2  }
0x66: {  	(v2sf) =	vpush v0, $0x5;
	s0 =	sor.u32 s0, s1  }
0x67: {  	s0 =	sshra.s32 s0, $0x2  }
0x68: {  	s0 =	sadd.s32 $0x0, s0;
	[tilespmem:s26+$0xFFFFFF60] =	vst v1  }
0x69: {  	s14 =	spop (v2sf);
	v1 =	vld [tilespmem:s0+$0x900]  }
0x6a: {  	s15 =	sand.u32 $0x7F, s14;
	s16 =	sshll.u32 s14, $0x2  }
0x6b: {  	s2 =	sand.u32 $0xFFFFFE00, s16;
	s0 =	sshll.u32 s15, $0x2  }
0x6c: {  	s0 =	sor.u32 s0, s2  }
0x6d: {  	s0 =	sshra.s32 s0, $0x2  }
0x6e: {  	s0 =	sadd.s32 $0x0, s0;
	[tilespmem:s26+$0xFFFFFF70] =	vst v1  }
0x6f: {  	s1 =	sadd.s32 $0x10, s14;
	v1 =	vld [tilespmem:s0+$0x980]  }
0x70: {  	s17 =	sand.u32 $0x7F, s1;
	s1 =	sshll.u32 s1, $0x2  }
0x71: {  	s1 =	sand.u32 $0xFFFFFE00, s1;
	s0 =	sshll.u32 s17, $0x2  }
0x72: {  	(v2sf) =	vpush v0, $0x6;
	s0 =	sor.u32 s0, s1  }
0x73: {  	s0 =	sshra.s32 s0, $0x2  }
0x74: {  	s0 =	sadd.s32 $0x0, s0;
	[tilespmem:s26+$0xFFFFFF80] =	vst v1  }
0x75: {  	s18 =	spop (v2sf);
	v1 =	vld [tilespmem:s0+$0x980]  }
0x76: {  	s19 =	sand.u32 $0x7F, s18;
	s21 =	sshll.u32 s18, $0x2  }
0x77: {  	s2 =	sand.u32 $0xFFFFFE00, s21;
	s0 =	sshll.u32 s19, $0x2  }
0x78: {  	s0 =	sor.u32 s0, s2  }
0x79: {  	s0 =	sshra.s32 s0, $0x2  }
0x7a: {  	s0 =	sadd.s32 $0x0, s0;
	[tilespmem:s26+$0xFFFFFF90] =	vst v1  }
0x7b: {  	s1 =	sadd.s32 $0x10, s18;
	v1 =	vld [tilespmem:s0+$0xA00]  }
0x7c: {  	s22 =	sand.u32 $0x7F, s1;
	s1 =	sshll.u32 s1, $0x2  }
0x7d: {  	s1 =	sand.u32 $0xFFFFFE00, s1;
	s0 =	sshll.u32 s22, $0x2  }
0x7e: {  	(v2sf) =	vpush v0, $0x7;
	s0 =	sor.u32 s0, s1  }
0x7f: {  	s0 =	sshra.s32 s0, $0x2  }
0x80: {  	s0 =	sadd.s32 $0x0, s0;
	[tilespmem:s26+$0xFFFFFFA0] =	vst v1  }
0x81: {  	s29 =	spop (v2sf);
	v1 =	vld [tilespmem:s0+$0xA00]  }
0x82: {  	s30 =	sand.u32 $0x7F, s29;
	s31 =	sshll.u32 s29, $0x2  }
0x83: {  	s2 =	sand.u32 $0xFFFFFE00, s31;
	s0 =	sshll.u32 s30, $0x2  }
0x84: {  	s0 =	sor.u32 s0, s2  }
0x85: {  	s0 =	sshra.s32 s0, $0x2  }
0x86: {  	s0 =	sadd.s32 $0x0, s0;
	[tilespmem:s26+$0xFFFFFFB0] =	vst v1  }
0x87: {  	s1 =	sadd.s32 $0x10, s29;
	v1 =	vld [tilespmem:s0+$0xA80]  }
0x88: {  	s2 =	sand.u32 $0x7F, s1;
	s1 =	sshll.u32 s1, $0x2  }
0x89: {  	s1 =	sand.u32 $0xFFFFFE00, s1;
	s0 =	sshll.u32 s2, $0x2  }
0x8a: {  	(v2sf) =	vpush v0, $0x8;
	s0 =	sor.u32 s0, s1  }
0x8b: {  	s0 =	sshra.s32 s0, $0x2  }
0x8c: {  	s0 =	sadd.s32 $0x0, s0;
	[tilespmem:s26+$0xFFFFFFC0] =	vst v1  }
0x8d: {  	s3 =	spop (v2sf);
	v1 =	vld [tilespmem:s0+$0xA80]  }
0x8e: {  	s4 =	sand.u32 $0x7F, s3;
	s7 =	sshll.u32 s3, $0x2  }
0x8f: {  	s2 =	sand.u32 $0xFFFFFE00, s7;
	s0 =	sshll.u32 s4, $0x2  }
0x90: {  	s0 =	sor.u32 s0, s2  }
0x91: {  	s0 =	sshra.s32 s0, $0x2  }
0x92: {  	s0 =	sadd.s32 $0x0, s0;
	[tilespmem:s26+$0xFFFFFFD0] =	vst v1  }
0x93: {  	s1 =	sadd.s32 $0x10, s3;
	v1 =	vld [tilespmem:s0+$0xB00]  }
0x94: {  	s10 =	sand.u32 $0x7F, s1;
	s1 =	sshll.u32 s1, $0x2  }
0x95: {  	s1 =	sand.u32 $0xFFFFFE00, s1;
	s0 =	sshll.u32 s10, $0x2  }
0x96: {  	(v2sf) =	vpush v0, $0x9;
	s0 =	sor.u32 s0, s1  }
0x97: {  	s0 =	sshra.s32 s0, $0x2  }
0x98: {  	s0 =	sadd.s32 $0x0, s0;
	[tilespmem:s26+$0xFFFFFFE0] =	vst v1  }
0x99: {  	s11 =	spop (v2sf);
	v1 =	vld [tilespmem:s0+$0xB00]  }
0x9a: {  	s12 =	sand.u32 $0x7F, s11;
	s13 =	sshll.u32 s11, $0x2  }
0x9b: {  	s2 =	sand.u32 $0xFFFFFE00, s13;
	s0 =	sshll.u32 s12, $0x2  }
0x9c: {  	s0 =	sor.u32 s0, s2  }
0x9d: {  	s0 =	sshra.s32 s0, $0x2  }
0x9e: {  	s0 =	sadd.s32 $0x0, s0;
	[tilespmem:s26+$0xFFFFFFF0] =	vst v1  }
0x9f: {  	s1 =	sadd.s32 $0x10, s11;
	v1 =	vld [tilespmem:s0+$0xB80]  }
0xa0: {  	s14 =	sand.u32 $0x7F, s1;
	s1 =	sshll.u32 s1, $0x2  }
0xa1: {  	s1 =	sand.u32 $0xFFFFFE00, s1;
	s0 =	sshll.u32 s14, $0x2  }
0xa2: {  	(v2sf) =	vpush v0, $0xA;
	s0 =	sor.u32 s0, s1  }
0xa3: {  	s0 =	sshra.s32 s0, $0x2  }
0xa4: {  	s0 =	sadd.s32 $0x0, s0;
	[tilespmem:s26+$0x0] =	vst v1  }
0xa5: {  	s15 =	spop (v2sf);
	v1 =	vld [tilespmem:s0+$0xB80]  }
0xa6: {  	s16 =	sand.u32 $0x7F, s15;
	s17 =	sshll.u32 s15, $0x2  }
0xa7: {  	s2 =	sand.u32 $0xFFFFFE00, s17;
	s0 =	sshll.u32 s16, $0x2  }
0xa8: {  	s0 =	sor.u32 s0, s2  }
0xa9: {  	s0 =	sshra.s32 s0, $0x2  }
0xaa: {  	s0 =	sadd.s32 $0x0, s0;
	[tilespmem:s26+$0x10] =	vst v1  }
0xab: {  	s1 =	sadd.s32 $0x10, s15;
	v1 =	vld [tilespmem:s0+$0xC00]  }
0xac: {  	s18 =	sand.u32 $0x7F, s1;
	s1 =	sshll.u32 s1, $0x2  }
0xad: {  	s1 =	sand.u32 $0xFFFFFE00, s1;
	s0 =	sshll.u32 s18, $0x2  }
0xae: {  	(v2sf) =	vpush v0, $0xB;
	s0 =	sor.u32 s0, s1  }
0xaf: {  	s0 =	sshra.s32 s0, $0x2  }
0xb0: {  	s0 =	sadd.s32 $0x0, s0;
	[tilespmem:s26+$0x20] =	vst v1  }
0xb1: {  	s19 =	spop (v2sf);
	v1 =	vld [tilespmem:s0+$0xC00]  }
0xb2: {  	s21 =	sand.u32 $0x7F, s19;
	s22 =	sshll.u32 s19, $0x2  }
0xb3: {  	s2 =	sand.u32 $0xFFFFFE00, s22;
	s0 =	sshll.u32 s21, $0x2  }
0xb4: {  	s0 =	sor.u32 s0, s2  }
0xb5: {  	s0 =	sshra.s32 s0, $0x2  }
0xb6: {  	s0 =	sadd.s32 $0x0, s0;
	[tilespmem:s26+$0x30] =	vst v1  }
0xb7: {  	s1 =	sadd.s32 $0x10, s19;
	v1 =	vld [tilespmem:s0+$0xC80]  }
0xb8: {  	s29 =	sand.u32 $0x7F, s1;
	s1 =	sshll.u32 s1, $0x2  }
0xb9: {  	s1 =	sand.u32 $0xFFFFFE00, s1;
	s0 =	sshll.u32 s29, $0x2  }
0xba: {  	(v2sf) =	vpush v0, $0xC;
	s0 =	sor.u32 s0, s1  }
0xbb: {  	s0 =	sshra.s32 s0, $0x2  }
0xbc: {  	s0 =	sadd.s32 $0x0, s0;
	[tilespmem:s26+$0x40] =	vst v1  }
0xbd: {  	s30 =	spop (v2sf);
	v1 =	vld [tilespmem:s0+$0xC80]  }
0xbe: {  	s31 =	sand.u32 $0x7F, s30;
	s3 =	sshll.u32 s30, $0x2  }
0xbf: {  	s2 =	sand.u32 $0xFFFFFE00, s3;
	s0 =	sshll.u32 s31, $0x2  }
0xc0: {  	s0 =	sor.u32 s0, s2  }
0xc1: {  	s0 =	sshra.s32 s0, $0x2  }
0xc2: {  	s0 =	sadd.s32 $0x0, s0;
	[tilespmem:s26+$0x50] =	vst v1  }
0xc3: {  	s1 =	sadd.s32 $0x10, s30;
	v1 =	vld [tilespmem:s0+$0xD00]  }
0xc4: {  	s4 =	sand.u32 $0x7F, s1;
	s1 =	sshll.u32 s1, $0x2  }
0xc5: {  	s1 =	sand.u32 $0xFFFFFE00, s1;
	s0 =	sshll.u32 s4, $0x2  }
0xc6: {  	(v2sf) =	vpush v0, $0xD;
	s0 =	sor.u32 s0, s1  }
0xc7: {  	s0 =	sshra.s32 s0, $0x2  }
0xc8: {  	s0 =	sadd.s32 $0x0, s0;
	[tilespmem:s26+$0x60] =	vst v1  }
0xc9: {  	s7 =	spop (v2sf);
	v1 =	vld [tilespmem:s0+$0xD00]  }
0xca: {  	s10 =	sand.u32 $0x7F, s7;
	s11 =	sshll.u32 s7, $0x2  }
0xcb: {  	s2 =	sand.u32 $0xFFFFFE00, s11;
	s0 =	sshll.u32 s10, $0x2  }
0xcc: {  	s0 =	sor.u32 s0, s2  }
0xcd: {  	s0 =	sshra.s32 s0, $0x2  }
0xce: {  	s0 =	sadd.s32 $0x0, s0;
	[tilespmem:s26+$0x70] =	vst v1  }
0xcf: {  	s1 =	sadd.s32 $0x10, s7;
	v1 =	vld [tilespmem:s0+$0xD80]  }
0xd0: {  	s12 =	sand.u32 $0x7F, s1;
	s1 =	sshll.u32 s1, $0x2  }
0xd1: {  	s1 =	sand.u32 $0xFFFFFE00, s1;
	s0 =	sshll.u32 s12, $0x2  }
0xd2: {  	(v2sf) =	vpush v0, $0xE;
	s0 =	sor.u32 s0, s1  }
0xd3: {  	s0 =	sshra.s32 s0, $0x2  }
0xd4: {  	s0 =	sadd.s32 $0x0, s0;
	[tilespmem:s26+$0x80] =	vst v1  }
0xd5: {  	s13 =	spop (v2sf);
	v1 =	vld [tilespmem:s0+$0xD80]  }
0xd6: {  	s14 =	sand.u32 $0x7F, s13;
	s15 =	sshll.u32 s13, $0x2  }
0xd7: {  	s2 =	sand.u32 $0xFFFFFE00, s15;
	s0 =	sshll.u32 s14, $0x2  }
0xd8: {  	s0 =	sor.u32 s0, s2  }
0xd9: {  	s0 =	sshra.s32 s0, $0x2  }
0xda: {  	s0 =	sadd.s32 $0x0, s0;
	[tilespmem:s26+$0x90] =	vst v1  }
0xdb: {  	s1 =	sadd.s32 $0x10, s13;
	v1 =	vld [tilespmem:s0+$0xE00]  }
0xdc: {  	s16 =	sand.u32 $0x7F, s1;
	s1 =	sshll.u32 s1, $0x2  }
0xdd: {  	s1 =	sand.u32 $0xFFFFFE00, s1;
	s0 =	sshll.u32 s16, $0x2  }
0xde: {  	(v2sf) =	vpush v0, $0xF;
	s0 =	sor.u32 s0, s1  }
0xdf: {  	s0 =	sshra.s32 s0, $0x2  }
0xe0: {  	s0 =	sadd.s32 $0x0, s0;
	[tilespmem:s26+$0xA0] =	vst v1  }
0xe1: {  	s17 =	spop (v2sf);
	v0 =	vld [tilespmem:s0+$0xE00]  }
0xe2: {  	s18 =	sand.u32 $0x7F, s17;
	s19 =	sshll.u32 s17, $0x2  }
0xe3: {  	s2 =	sand.u32 $0xFFFFFE00, s19;
	s0 =	sshll.u32 s18, $0x2  }
0xe4: {  	s0 =	sor.u32 s0, s2  }
0xe5: {  	s0 =	sshra.s32 s0, $0x2  }
0xe6: {  	s0 =	sadd.s32 $0x0, s0;
	[tilespmem:s26+$0xB0] =	vst v0  }
0xe7: {  	s1 =	sadd.s32 $0x10, s17;
	v0 =	vld [tilespmem:s0+$0xE80]  }
0xe8: {  	s21 =	sand.u32 $0x7F, s1;
	s1 =	sshll.u32 s1, $0x2  }
0xe9: {  	s1 =	sand.u32 $0xFFFFFE00, s1;
	s0 =	sshll.u32 s21, $0x2  }
0xea: {  	s0 =	sor.u32 s0, s1  }
0xeb: {  	s0 =	sshra.s32 s0, $0x2  }
0xec: {  	s0 =	sadd.s32 $0x0, s0;
	[tilespmem:s26+$0xC0] =	vst v0  }
0xed: {  	s22 =	spop (v2sf);
	v0 =	vld [tilespmem:s0+$0xE80]  }
0xee: {  	s29 =	sand.u32 $0x7F, s22;
	s30 =	sshll.u32 s22, $0x2  }
0xef: {  	s2 =	sand.u32 $0xFFFFFE00, s30;
	s0 =	sshll.u32 s29, $0x2  }
0xf0: {  	s0 =	sor.u32 s0, s2  }
0xf1: {  	s0 =	sshra.s32 s0, $0x2  }
0xf2: {  	s0 =	sadd.s32 $0x0, s0;
	[tilespmem:s26+$0xD0] =	vst v0  }
0xf3: {  	s1 =	sadd.s32 $0x10, s22;
	v0 =	vld [tilespmem:s0+$0xF00]  }
0xf4: {  	s31 =	sand.u32 $0x7F, s1;
	s1 =	sshll.u32 s1, $0x2  }
0xf5: {  	s1 =	sand.u32 $0xFFFFFE00, s1;
	s0 =	sshll.u32 s31, $0x2  }
0xf6: {  	s0 =	sor.u32 s0, s1  }
0xf7: {  	s0 =	sshra.s32 s0, $0x2  }
0xf8: {  	s0 =	sadd.s32 $0x0, s0;
	[tilespmem:s26+$0xE0] =	vst v0  }
0xf9: {  	s28 =	simm.s32 $0x2000;
	v0 =	vld [tilespmem:s0+$0xF00]  }
.LBB2_5:
0xfa: {  	_ =	sdelay $0x3  }
0xfb: {  	p0 =	sne.s32 s28, $0x4E000;
	s25 =	sadd.s32 $0x10, s25;
	[tilespmem:s26+$0xF0] =	vst v0;
	s26 =	sadd.s32 $0x200, s26  }
0xfc: {  	s0 =	smov.u32 s28;
	s28 =	sadd.s32 $0x2000, s28;
	v0 =	vld [tilespmem:s25+$0x0];
	_ =	sdelay $0x4  }
0xfd: {  	(v2sf) =	vpush v0, $0x0;
	_ =	sdelay $0x3  }
0xfe: {  	(v2sf) =	vpush v0, $0x1;
	_ =	sdelay $0x1  }
0xff: {  	(v2sf) =	vpush v0, $0x2;
	_ =	sdelay $0x7  }
0x100: {  	(v2sf) =	vpush v0, $0x3  }
0x101: {  	s29 =	sshra.s32 s0, $0x2;
	s0 =	spop (v2sf)  }
0x102: {  	s1 =	sand.u32 $0x7F, s0;
	s2 =	sshll.u32 s0, $0x2;
	s0 =	sadd.s32 $0x10, s0  }
0x103: {  	s2 =	sand.u32 $0xFFFFFE00, s2;
	s1 =	sshll.u32 s1, $0x2;
	s3 =	sand.u32 $0x7F, s0  }
0x104: {  	s0 =	sshll.u32 s0, $0x2;
	s1 =	sor.u32 s1, s2;
	s2 =	sshll.u32 s3, $0x2  }
0x105: {  	s0 =	sand.u32 $0xFFFFFE00, s0;
	s1 =	sshra.s32 s1, $0x2;
	s3 =	spop (v2sf)  }
0x106: {  	s0 =	sor.u32 s2, s0;
	s1 =	sadd.s32 s29, s1;
	s2 =	sand.u32 $0x7F, s3;
	(v2sf) =	vpush v0, $0x4  }
0x107: {  	v1 =	vld [tilespmem:s1+$0x780];
	s1 =	sshll.u32 s3, $0x2;
	s3 =	sadd.s32 $0x10, s3;
	s7 =	spop (v2sf)  }
0x108: {  	s2 =	sshll.u32 s2, $0x2;
	s1 =	sand.u32 $0xFFFFFE00, s1;
	s10 =	sand.u32 $0x7F, s7  }
0x109: {  	s1 =	sor.u32 s2, s1;
	s2 =	sand.u32 $0x7F, s3;
	s3 =	sshll.u32 s3, $0x2  }
0x10a: {  	s11 =	sshra.s32 s1, $0x2;
	s1 =	sand.u32 $0xFFFFFE00, s3;
	s3 =	sshll.u32 s7, $0x2  }
0x10b: {  	s0 =	sshra.s32 s0, $0x2;
	s10 =	sshll.u32 s10, $0x2;
	s3 =	sand.u32 $0xFFFFFE00, s3  }
0x10c: {  	s0 =	sadd.s32 s29, s0;
	s2 =	sshll.u32 s2, $0x2;
	[tilespmem:s26+$0xFFFFFF00] =	vst v1;
	s3 =	sor.u32 s10, s3;
	(v2sf) =	vpush v0, $0x5  }
0x10d: {  	v1 =	vld [tilespmem:s0+$0x780];
	s0 =	sor.u32 s2, s1;
	s2 =	sshra.s32 s3, $0x2;
	s1 =	sadd.s32 $0x10, s7  }
0x10e: {  	s3 =	sshra.s32 s0, $0x2;
	s0 =	sand.u32 $0x7F, s1;
	s1 =	sshll.u32 s1, $0x2  }
0x10f: {  	s1 =	sand.u32 $0xFFFFFE00, s1;
	s0 =	sshll.u32 s0, $0x2;
	s7 =	spop (v2sf)  }
0x110: {  	s0 =	sor.u32 s0, s1;
	s10 =	sand.u32 $0x7F, s7;
	s12 =	sshll.u32 s7, $0x2  }
0x111: {  	s1 =	sshra.s32 s0, $0x2;
	s0 =	sand.u32 $0xFFFFFE00, s12;
	s10 =	sshll.u32 s10, $0x2  }
0x112: {  	s11 =	sadd.s32 s29, s11;
	s7 =	sadd.s32 $0x10, s7;
	[tilespmem:s26+$0xFFFFFF10] =	vst v1;
	s0 =	sor.u32 s10, s0;
	(v2sf) =	vpush v0, $0x6  }
0x113: {  	s10 =	sand.u32 $0x7F, s7;
	v1 =	vld [tilespmem:s11+$0x800];
	s0 =	sshra.s32 s0, $0x2;
	s11 =	sshll.u32 s7, $0x2  }
0x114: {  	s10 =	sshll.u32 s10, $0x2;
	s7 =	sadd.s32 s29, s0;
	s0 =	sand.u32 $0xFFFFFE00, s11  }
0x115: {  	s0 =	sor.u32 s10, s0;
	s10 =	spop (v2sf)  }
0x116: {  	s0 =	sshra.s32 s0, $0x2;
	s11 =	sand.u32 $0x7F, s10;
	s12 =	sshll.u32 s10, $0x2  }
0x117: {  	s0 =	sadd.s32 s29, s0;
	s12 =	sand.u32 $0xFFFFFE00, s12;
	s11 =	sshll.u32 s11, $0x2  }
0x118: {  	s3 =	sadd.s32 s29, s3;
	s10 =	sadd.s32 $0x10, s10;
	[tilespmem:s26+$0xFFFFFF20] =	vst v1;
	s11 =	sor.u32 s11, s12;
	(v2sf) =	vpush v0, $0x7  }
0x119: {  	v1 =	vld [tilespmem:s3+$0x800];
	s3 =	sshra.s32 s11, $0x2;
	s11 =	sand.u32 $0x7F, s10;
	s10 =	sshll.u32 s10, $0x2  }
0x11a: {  	s3 =	sadd.s32 s29, s3;
	s10 =	sand.u32 $0xFFFFFE00, s10;
	s11 =	sshll.u32 s11, $0x2  }
0x11b: {  	s10 =	sor.u32 s11, s10;
	s12 =	spop (v2sf);
	(v2sf) =	vpush v0, $0x8  }
0x11c: {  	s10 =	sshra.s32 s10, $0x2;
	s13 =	sand.u32 $0x7F, s12;
	s14 =	sshll.u32 s12, $0x2  }
0x11d: {  	s11 =	sadd.s32 s29, s10;
	s10 =	sand.u32 $0xFFFFFE00, s14;
	s13 =	sshll.u32 s13, $0x2  }
0x11e: {  	s2 =	sadd.s32 s29, s2;
	s12 =	sadd.s32 $0x10, s12;
	[tilespmem:s26+$0xFFFFFF30] =	vst v1;
	s10 =	sor.u32 s13, s10  }
0x11f: {  	v1 =	vld [tilespmem:s2+$0x880];
	s2 =	sshra.s32 s10, $0x2;
	s10 =	sand.u32 $0x7F, s12;
	s12 =	sshll.u32 s12, $0x2  }
0x120: {  	s14 =	sadd.s32 s29, s2;
	s2 =	sand.u32 $0xFFFFFE00, s12;
	s10 =	sshll.u32 s10, $0x2  }
0x121: {  	s2 =	sor.u32 s10, s2;
	s10 =	spop (v2sf)  }
0x122: {  	s2 =	sshra.s32 s2, $0x2;
	s13 =	sand.u32 $0x7F, s10;
	s15 =	sshll.u32 s10, $0x2  }
0x123: {  	s12 =	sadd.s32 s29, s2;
	s2 =	sand.u32 $0xFFFFFE00, s15;
	s13 =	sshll.u32 s13, $0x2;
	(v2sf) =	vpush v0, $0x9  }
0x124: {  	s1 =	sadd.s32 s29, s1;
	s10 =	sadd.s32 $0x10, s10;
	[tilespmem:s26+$0xFFFFFF40] =	vst v1;
	s2 =	sor.u32 s13, s2  }
0x125: {  	v1 =	vld [tilespmem:s1+$0x880];
	s1 =	sshra.s32 s2, $0x2;
	s2 =	sand.u32 $0x7F, s10;
	s10 =	sshll.u32 s10, $0x2  }
0x126: {  	s1 =	sadd.s32 s29, s1;
	s10 =	sand.u32 $0xFFFFFE00, s10;
	s2 =	sshll.u32 s2, $0x2;
	(v2sf) =	vpush v0, $0xA  }
0x127: {  	s2 =	sor.u32 s2, s10;
	s10 =	spop (v2sf)  }
0x128: {  	s2 =	sshra.s32 s2, $0x2;
	s13 =	sand.u32 $0x7F, s10;
	s15 =	sshll.u32 s10, $0x2  }
0x129: {  	s2 =	sadd.s32 s29, s2;
	s15 =	sand.u32 $0xFFFFFE00, s15;
	s13 =	sshll.u32 s13, $0x2  }
0x12a: {  	s10 =	sadd.s32 $0x10, s10;
	[tilespmem:s26+$0xFFFFFF50] =	vst v1;
	s13 =	sor.u32 s13, s15;
	s15 =	spop (v2sf)  }
0x12b: {  	v1 =	vld [tilespmem:s7+$0x900];
	s7 =	sshra.s32 s13, $0x2;
	s13 =	sand.u32 $0x7F, s10;
	s10 =	sshll.u32 s10, $0x2  }
0x12c: {  	s30 =	sadd.s32 s29, s7;
	s7 =	sand.u32 $0xFFFFFE00, s10;
	s10 =	sshll.u32 s13, $0x2  }
0x12d: {  	s13 =	sshll.u32 s15, $0x2;
	s7 =	sor.u32 s10, s7;
	s10 =	sand.u32 $0x7F, s15  }
0x12e: {  	s13 =	sand.u32 $0xFFFFFE00, s13;
	s7 =	sshra.s32 s7, $0x2;
	s10 =	sshll.u32 s10, $0x2;
	(v2sf) =	vpush v0, $0xB  }
0x12f: {  	s31 =	sadd.s32 s29, s7;
	s7 =	sor.u32 s10, s13;
	s10 =	sadd.s32 $0x10, s15  }
0x130: {  	[tilespmem:s26+$0xFFFFFF60] =	vst v1;
	s7 =	sshra.s32 s7, $0x2;
	s13 =	sand.u32 $0x7F, s10;
	s10 =	sshll.u32 s10, $0x2  }
0x131: {  	v1 =	vld [tilespmem:s0+$0x900];
	s0 =	sadd.s32 s29, s7;
	s7 =	sand.u32 $0xFFFFFE00, s10;
	s10 =	sshll.u32 s13, $0x2;
	(v2sf) =	vpush v0, $0xC  }
0x132: {  	s7 =	sor.u32 s10, s7;
	s10 =	spop (v2sf)  }
0x133: {  	s7 =	sshra.s32 s7, $0x2;
	s13 =	sand.u32 $0x7F, s10;
	s15 =	sshll.u32 s10, $0x2  }
0x134: {  	s7 =	sadd.s32 s29, s7;
	s15 =	sand.u32 $0xFFFFFE00, s15;
	s13 =	sshll.u32 s13, $0x2  }
0x135: {  	s10 =	sadd.s32 $0x10, s10;
	s13 =	sor.u32 s13, s15;
	s15 =	spop (v2sf)  }
0x136: {  	s16 =	sand.u32 $0x7F, s10;
	s10 =	sshll.u32 s10, $0x2;
	[tilespmem:s26+$0xFFFFFF70] =	vst v1;
	s13 =	sshra.s32 s13, $0x2  }
0x137: {  	v1 =	vld [tilespmem:s3+$0x980];
	s22 =	sadd.s32 s29, s13;
	s3 =	sand.u32 $0xFFFFFE00, s10;
	s10 =	sshll.u32 s16, $0x2  }
0x138: {  	s13 =	sshll.u32 s15, $0x2;
	s3 =	sor.u32 s10, s3;
	s10 =	sand.u32 $0x7F, s15  }
0x139: {  	s13 =	sand.u32 $0xFFFFFE00, s13;
	s3 =	sshra.s32 s3, $0x2;
	s10 =	sshll.u32 s10, $0x2;
	(v2sf) =	vpush v0, $0xD  }
0x13a: {  	s3 =	sadd.s32 s29, s3;
	s10 =	sor.u32 s10, s13;
	s13 =	sadd.s32 $0x10, s15  }
0x13b: {  	s10 =	sshra.s32 s10, $0x2;
	s15 =	sand.u32 $0x7F, s13;
	s13 =	sshll.u32 s13, $0x2  }
0x13c: {  	[tilespmem:s26+$0xFFFFFF80] =	vst v1;
	s10 =	sadd.s32 s29, s10;
	s13 =	sand.u32 $0xFFFFFE00, s13;
	s15 =	sshll.u32 s15, $0x2;
	(v2sf) =	vpush v0, $0xE  }
0x13d: {  	v1 =	vld [tilespmem:s11+$0x980];
	s11 =	sor.u32 s15, s13;
	s13 =	spop (v2sf)  }
0x13e: {  	s11 =	sshra.s32 s11, $0x2;
	s15 =	sand.u32 $0x7F, s13;
	s16 =	sshll.u32 s13, $0x2  }
0x13f: {  	s11 =	sadd.s32 s29, s11;
	s16 =	sand.u32 $0xFFFFFE00, s16;
	s15 =	sshll.u32 s15, $0x2  }
0x140: {  	s13 =	sadd.s32 $0x10, s13;
	s15 =	sor.u32 s15, s16;
	s16 =	spop (v2sf)  }
0x141: {  	s17 =	sand.u32 $0x7F, s13;
	s18 =	sshll.u32 s13, $0x2;
	s15 =	sshra.s32 s15, $0x2  }
0x142: {  	s17 =	sshll.u32 s17, $0x2;
	[tilespmem:s26+$0xFFFFFF90] =	vst v1;
	s13 =	sadd.s32 s29, s15;
	s15 =	sand.u32 $0xFFFFFE00, s18  }
0x143: {  	v1 =	vld [tilespmem:s14+$0xA00];
	s14 =	sor.u32 s17, s15;
	s15 =	sand.u32 $0x7F, s16;
	s17 =	sshll.u32 s16, $0x2  }
0x144: {  	s14 =	sshra.s32 s14, $0x2;
	s17 =	sand.u32 $0xFFFFFE00, s17;
	s15 =	sshll.u32 s15, $0x2;
	(v2sf) =	vpush v0, $0xF  }
0x145: {  	s16 =	sadd.s32 $0x10, s16;
	s14 =	sadd.s32 s29, s14;
	s15 =	sor.u32 s15, s17  }
0x146: {  	s17 =	sand.u32 $0x7F, s16;
	s16 =	sshll.u32 s16, $0x2;
	s15 =	sshra.s32 s15, $0x2  }
0x147: {  	s16 =	sand.u32 $0xFFFFFE00, s16;
	s17 =	sshll.u32 s17, $0x2;
	s15 =	sadd.s32 s29, s15  }
0x148: {  	s16 =	sor.u32 s17, s16;
	[tilespmem:s26+$0xFFFFFFA0] =	vst v1;
	s17 =	spop (v2sf)  }
0x149: {  	v0 =	vld [tilespmem:s12+$0xA00];
	s12 =	sshra.s32 s16, $0x2;
	s16 =	sand.u32 $0x7F, s17;
	s18 =	sshll.u32 s17, $0x2  }
0x14a: {  	s12 =	sadd.s32 s29, s12;
	s18 =	sand.u32 $0xFFFFFE00, s18;
	s16 =	sshll.u32 s16, $0x2  }
0x14b: {  	s17 =	sadd.s32 $0x10, s17;
	s16 =	sor.u32 s16, s18;
	s18 =	spop (v2sf)  }
0x14c: {  	s19 =	sand.u32 $0x7F, s17;
	s17 =	sshll.u32 s17, $0x2;
	s16 =	sshra.s32 s16, $0x2  }
0x14d: {  	s17 =	sand.u32 $0xFFFFFE00, s17;
	s19 =	sshll.u32 s19, $0x2;
	s16 =	sadd.s32 s29, s16  }
0x14e: {  	s17 =	sor.u32 s19, s17;
	s19 =	sand.u32 $0x7F, s18;
	s21 =	sshll.u32 s18, $0x2;
	[tilespmem:s26+$0xFFFFFFB0] =	vst v0  }
0x14f: {  	s19 =	sshll.u32 s19, $0x2;
	v0 =	vld [tilespmem:s1+$0xA80];
	s1 =	sshra.s32 s17, $0x2;
	s17 =	sand.u32 $0xFFFFFE00, s21  }
0x150: {  	s18 =	sadd.s32 $0x10, s18;
	s1 =	sadd.s32 s29, s1;
	s17 =	sor.u32 s19, s17  }
0x151: {  	s19 =	sand.u32 $0x7F, s18;
	s18 =	sshll.u32 s18, $0x2;
	s17 =	sshra.s32 s17, $0x2  }
0x152: {  	s18 =	sand.u32 $0xFFFFFE00, s18;
	s19 =	sshll.u32 s19, $0x2;
	s17 =	sadd.s32 s29, s17  }
0x153: {  	s18 =	sor.u32 s19, s18;
	s19 =	spop (v2sf)  }
0x154: {  	s18 =	sshra.s32 s18, $0x2;
	[tilespmem:s26+$0xFFFFFFC0] =	vst v0;
	s21 =	sand.u32 $0x7F, s19;
	s4 =	sshll.u32 s19, $0x2  }
0x155: {  	v0 =	vld [tilespmem:s2+$0xA80];
	s2 =	sadd.s32 s29, s18;
	s4 =	sand.u32 $0xFFFFFE00, s4;
	s18 =	sshll.u32 s21, $0x2  }
0x156: {  	s4 =	sor.u32 s18, s4;
	s18 =	sadd.s32 $0x10, s19  }
0x157: {  	s4 =	sshra.s32 s4, $0x2;
	s19 =	sand.u32 $0x7F, s18;
	s21 =	sshll.u32 s18, $0x2  }
0x158: {  	s18 =	sadd.s32 s29, s4;
	s4 =	sand.u32 $0xFFFFFE00, s21;
	s19 =	sshll.u32 s19, $0x2  }
0x159: {  	s4 =	sor.u32 s19, s4  }
0x15a: {  	[tilespmem:s26+$0xFFFFFFD0] =	vst v0;
	s4 =	sshra.s32 s4, $0x2  }
0x15b: {  	v0 =	vld [tilespmem:s30+$0xB00];
	s29 =	sadd.s32 s29, s4;
	_ =	sdelay $0x4  }
0x15c: {  	[tilespmem:s26+$0xFFFFFFE0] =	vst v0  }
0x15d: {  	v0 =	vld [tilespmem:s31+$0xB00];
	_ =	sdelay $0x4  }
0x15e: {  	[tilespmem:s26+$0xFFFFFFF0] =	vst v0  }
0x15f: {  	v0 =	vld [tilespmem:s0+$0xB80];
	_ =	sdelay $0x4  }
0x160: {  	[tilespmem:s26+$0x0] =	vst v0  }
0x161: {  	v0 =	vld [tilespmem:s7+$0xB80];
	_ =	sdelay $0x4  }
0x162: {  	[tilespmem:s26+$0x10] =	vst v0  }
0x163: {  	v0 =	vld [tilespmem:s22+$0xC00];
	_ =	sdelay $0x4  }
0x164: {  	[tilespmem:s26+$0x20] =	vst v0  }
0x165: {  	v0 =	vld [tilespmem:s3+$0xC00];
	_ =	sdelay $0x4  }
0x166: {  	[tilespmem:s26+$0x30] =	vst v0  }
0x167: {  	v0 =	vld [tilespmem:s10+$0xC80];
	_ =	sdelay $0x4  }
0x168: {  	[tilespmem:s26+$0x40] =	vst v0  }
0x169: {  	v0 =	vld [tilespmem:s11+$0xC80];
	_ =	sdelay $0x4  }
0x16a: {  	[tilespmem:s26+$0x50] =	vst v0  }
0x16b: {  	v0 =	vld [tilespmem:s13+$0xD00];
	_ =	sdelay $0x4  }
0x16c: {  	[tilespmem:s26+$0x60] =	vst v0  }
0x16d: {  	v0 =	vld [tilespmem:s14+$0xD00];
	_ =	sdelay $0x4  }
0x16e: {  	[tilespmem:s26+$0x70] =	vst v0  }
0x16f: {  	v0 =	vld [tilespmem:s15+$0xD80];
	_ =	sdelay $0x4  }
0x170: {  	[tilespmem:s26+$0x80] =	vst v0  }
0x171: {  	v0 =	vld [tilespmem:s12+$0xD80];
	_ =	sdelay $0x4  }
0x172: {  	[tilespmem:s26+$0x90] =	vst v0  }
0x173: {  	v0 =	vld [tilespmem:s16+$0xE00];
	_ =	sdelay $0x4  }
0x174: {  	[tilespmem:s26+$0xA0] =	vst v0  }
0x175: {  	v0 =	vld [tilespmem:s1+$0xE00];
	_ =	sdelay $0x4  }
0x176: {  	[tilespmem:s26+$0xB0] =	vst v0  }
0x177: {  	v0 =	vld [tilespmem:s17+$0xE80];
	_ =	sdelay $0x4  }
0x178: {  	[tilespmem:s26+$0xC0] =	vst v0  }
0x179: {  	v0 =	vld [tilespmem:s2+$0xE80];
	_ =	sdelay $0x4  }
0x17a: {  	[tilespmem:s26+$0xD0] =	vst v0  }
0x17b: {  	v0 =	vld [tilespmem:s18+$0xF00];
	_ =	sdelay $0x1  }
.Ltmp1:
0x17c: {  	(pc) =	sbr.rel @p0 .LBB2_5-.Ltmp1, $3  }
0x17d: {  	_ =	sdelay $0x1  }
0x17e: {  	[tilespmem:s26+$0xE0] =	vst v0  }
0x17f: {  	v0 =	vld [tilespmem:s29+$0xF00]  }
0x180: {  	_ =	sdelay $0x1  }
0x181: {  	s0 =	sshll.u32 s24, $0x2;
	s23 =	sadd.s32 $0x1, s23  }
0x182: {  	s1 =	rddreg [dreg:$0x1];
	s31 =	simm.s32 $0x0;
	p0 =	sne.s32 s23, $0xA  }
.Ltmp2:
0x183: {  	s2 =	simm.s32 $0x14780;
	s0 =	sadd.s32 s1, s0;
	[tilespmem:s26+$0xF0] =	vst v0;
	(pc) =	sbr.rel @p0 .LBB2_2-.Ltmp2, $4  }
0x184: {  	[hbm4b:s0+s31] =	stream.linear.scatter [tilespmem:s2], [sflag:$0x2], $0x5000, $0x38;
	[tilespmem:$0x19780] =	vst v63  }
0x185: {  	_ =	swait.ge [sflag:s8], $0x5000  }
0x186: {  	[sflag:s8] =	ssyncset.done $0x0  }
0x187: {  	[sflag:s8] =	ssyncadd.s32 $0xFFFFB000  }
0x188: {  	s1 =	rddreg [dreg:$0x5]  }
0x189: {  	s0 =	rddreg [dreg:$0x4];
	s1 =	sadd.s32 $0x1, s1  }
0x18a: {  	p0 =	sne.s32 s1, s0  }
.Ltmp3:
0x18b: {  	_ = 	snop;
	(pc) =	sbr.rel @p0 .LBB2_1-.Ltmp3, $1  }
0x18c: {  	_ =	sdelay $0x3  }
0x18d: {  	_ =	sfence.sel $0x180000  }
0x18e: {  	[bflag:$0x0] =	sbarrier.arrive $0xFFFF  }
0x18f: {  	_ =	strace $0x90000047  }
0x190: {  	s0 =	stileid.u32;
	[bflag:$0x2] =	sbarrier.arrive $0xFFFF  }
0x191: {  	p0 =	sne.s32 s0, $0x0;
	s0 =	rddreg [dreg:$0x2]  }
0x192: {  	s0 =	sadd.s32 @!p0 $0x100000, s0  }
0x193: {  	[sflag:s0] =	ssyncadd.tile.s32 @!p0 $0x1;
	_ =	shalt  }
.Lfunc_end2:
_tile_overlayer_lowered:
.L_overlay_start_2:
0x194: {  	(tag) =	ssettag $0x2  }
0x195: {  	s0 =	rddreg [dreg:$0x0];
	s2 =	stileid.u32  }
0x196: {  	s1 =	rddreg [dreg:$0x1];
	p0 =	sne.s32 s2, $0x0  }
0x197: {  	s3 =	rddreg [dreg:$0x2];
	[bflag:$0x3] =	sbarrier.arrive $0xFFFF;
	s2 =	simm.s32 @!p0 $0x1C02  }
0x198: {  	[timem:s3], [sflag:s2] =	dma.local @!p0 [hbm:s0], s1  }
0x199: {  	s0 =	simm.s32 @!p0 $0x2  }
0x19a: {  	_ =	swait.ge @!p0 [sflag:s0], s1  }
0x19b: {  	s1 =	ssub.s32 @!p0 $0x0, s1;
	[sflag:s0] =	ssyncset.done @!p0 $0x0  }
0x19c: {  	[sflag:s0] =	ssyncadd.s32 @!p0 s1  }
0x19d: {  	[bflag:$0x3] =	sbarrier.arrive $0xFFFF  }
0x19e: {  	_ =	shalt  }

</sc_bundles>
